<compile_context>
chip_gen: v7x
topology: tpu7x:2x2x1
jax: 0.10.2.dev20260603
libtpu: 0.0.44.dev20260713+nightly
codegen_flags: <defaults>
</compile_context>

<pallas_src>
import functools

import jax
import jax.numpy as jnp
from jax import lax
from jax.experimental import pallas as pl
from jax.experimental.pallas import tpu as pltpu
from jax.experimental.pallas import tpu_sc as plsc

NC = 2
NS = 16
NW = NC * NS
LANES = 16
CHUNK = 128


def _compose_w(bases, comp, blk=400):
    B, N, D = bases.shape
    R = comp.shape[0]
    assert N % blk == 0

    def body(comp_ref, bases_ref, w_ref):
        for r in range(R):
            acc = comp_ref[r, 0] * bases_ref[0]
            for b in range(1, B):
                acc = acc + comp_ref[r, b] * bases_ref[b]
            w_ref[r] = acc

    return pl.pallas_call(
        body,
        grid=(N // blk,),
        in_specs=[
            pl.BlockSpec(memory_space=pltpu.SMEM),
            pl.BlockSpec((B, blk, D), lambda i: (0, i, 0)),
        ],
        out_specs=pl.BlockSpec((R, blk, D), lambda i: (0, i, 0)),
        out_shape=jax.ShapeDtypeStruct((R, N, D), jnp.float32),
    )(comp, bases)


def _finalize(pagg, pdeg, root_pad, bias2d, n_acc, d, blk=512):

    def body(p_ref, deg_ref, root_ref, bias_ref, out_ref):
        s = p_ref[0] + p_ref[1]
        dg = deg_ref[0] + deg_ref[1]
        out_ref[...] = s / jnp.maximum(dg, 1.0) + root_ref[...] + bias_ref[...]

    return pl.pallas_call(
        body,
        grid=(n_acc // blk,),
        in_specs=[
            pl.BlockSpec((NC, blk, d), lambda i: (0, i, 0)),
            pl.BlockSpec((NC, blk, 1), lambda i: (0, i, 0)),
            pl.BlockSpec((blk, d), lambda i: (i, 0)),
            pl.BlockSpec((1, d), lambda i: (0, 0)),
        ],
        out_specs=pl.BlockSpec((blk, d), lambda i: (i, 0)),
        out_shape=jax.ShapeDtypeStruct((n_acc, d), jnp.float32),
    )(pagg.reshape(NC, n_acc, d), pdeg.reshape(NC, n_acc, 1), root_pad, bias2d)


def _make_sc_agg(n_nodes, n_acc, d, ept, kch):
    npt = n_acc // NS
    mesh = plsc.VectorSubcoreMesh(
        core_axis_name="c", subcore_axis_name="s", num_cores=NC, num_subcores=NS)

    @functools.partial(
        pl.kernel,
        out_type=(
            jax.ShapeDtypeStruct((NC * n_acc, d), jnp.float32),
            jax.ShapeDtypeStruct((NC * n_acc,), jnp.float32),
        ),
        mesh=mesh,
        scratch_types=[
            pltpu.VMEM((ept,), jnp.int32),
            pltpu.VMEM((ept,), jnp.int32),
            pltpu.VMEM((kch, CHUNK), jnp.int32),
            pltpu.VMEM((CHUNK, d), jnp.float32),
            pltpu.VMEM((CHUNK,), jnp.float32),
            pltpu.VMEM((npt,), jnp.float32),
            pltpu.VMEM_SHARED((n_acc, d), jnp.float32),
            pltpu.VMEM_SHARED((n_acc,), jnp.float32),
            pltpu.SemaphoreType.DMA,
        ],
    )
    def sc_agg(w_hbm, src_hbm, etype_hbm, dst_hbm, pagg_hbm, pdeg_hbm,
               flat_v, etype_v, dst_v, rows_v, ones_v, degbuf_v,
               acc_sh, deg_sh, gsem):
        c = lax.axis_index("c")
        s = lax.axis_index("s")
        wid = c * NS + s
        row0 = s * npt

        def zrow(i, carry):
            for j in range(d // LANES):
                rows_v[i, pl.ds(j * LANES, LANES)] = jnp.zeros((LANES,), jnp.float32)
            return carry
        lax.fori_loop(0, CHUNK, zrow, 0)
        for j in range(CHUNK // LANES):
            ones_v[pl.ds(j * LANES, LANES)] = jnp.ones((LANES,), jnp.float32)

        def zdeg(i, carry):
            degbuf_v[pl.ds(i * LANES, LANES)] = jnp.zeros((LANES,), jnp.float32)
            return carry
        lax.fori_loop(0, npt // LANES, zdeg, 0)

        for t in range(npt // CHUNK):
            pltpu.sync_copy(rows_v, acc_sh.at[pl.ds(row0 + t * CHUNK, CHUNK)])
        pltpu.sync_copy(degbuf_v, deg_sh.at[pl.ds(row0, npt)])
        plsc.subcore_barrier()

        base = wid * ept
        pltpu.sync_copy(src_hbm.at[pl.ds(base, ept)], flat_v)
        pltpu.sync_copy(etype_hbm.at[pl.ds(base, ept)], etype_v)
        pltpu.sync_copy(dst_hbm.at[wid], dst_v)

        def fl(i, carry):
            sl = pl.ds(i * LANES, LANES)
            flat_v[sl] = etype_v[sl] * n_nodes + flat_v[sl]
            return carry
        lax.fori_loop(0, ept // LANES, fl, 0)

        def step(k, carry):
            idx = flat_v.at[pl.ds(k * CHUNK, CHUNK)]
            pltpu.async_copy(w_hbm.at[idx], rows_v, gsem).wait()
            pltpu.sync_copy(rows_v, acc_sh.at[dst_v.at[k]], add=True)
            pltpu.sync_copy(ones_v, deg_sh.at[dst_v.at[k]], add=True)
            return carry
        lax.fori_loop(0, kch, step, 0)
        plsc.subcore_barrier()

        out0 = c * n_acc + row0
        for t in range(npt // CHUNK):
            pltpu.sync_copy(acc_sh.at[pl.ds(row0 + t * CHUNK, CHUNK)], rows_v)
            pltpu.sync_copy(rows_v, pagg_hbm.at[pl.ds(out0 + t * CHUNK, CHUNK)])
        pltpu.sync_copy(deg_sh.at[pl.ds(row0, npt)], degbuf_v)
        pltpu.sync_copy(degbuf_v, pdeg_hbm.at[pl.ds(out0, npt)])

    return sc_agg


def kernel(edge_index, edge_type, bases, comp, root, bias):
    B, N, D = bases.shape
    R = comp.shape[0]
    E = edge_type.shape[0]

    kch = -(-E // (NW * CHUNK))
    ept = kch * CHUNK
    e_pad = NW * ept
    n_acc = ((N + NS * CHUNK - 1) // (NS * CHUNK)) * (NS * CHUNK)

    src = edge_index[0]
    dst = edge_index[1]
    pad = e_pad - E
    src_p = jnp.concatenate([src, jnp.zeros((pad,), src.dtype)])
    et_p = jnp.concatenate([edge_type, jnp.zeros((pad,), edge_type.dtype)])
    dst_p = jnp.concatenate([dst, jnp.full((pad,), N, dst.dtype)])
    dst3d = dst_p.reshape(NW, kch, CHUNK)

    w = _compose_w(bases, comp)
    w2d = w.reshape(R * N, D)

    sc_agg = _make_sc_agg(N, n_acc, D, ept, kch)
    pagg, pdeg = sc_agg(w2d, src_p, et_p, dst3d)

    root_pad = jnp.pad(root, ((0, n_acc - N), (0, 0)))
    out = _finalize(pagg, pdeg, root_pad, bias.reshape(1, D), n_acc, D)
    return out[:N]

# --- scband reference (transcript-rebuilt; emitter-appended) ---
"""Pipeline reference for scband-user-social-graph-1821066134200 (READ-ONLY COPY).

The authoritative reference and input builder live on the scoring server;
editing this copy changes nothing except your own understanding.
"""

import jax, jax.numpy as jnp
import numpy as np

N = 10000   # num_users (graph nodes)
E = 320000  # num social edges (avg_degree=32)
D = 128     # user_embed_dim (RGCN out_channels)
R = 6       # n_relation = len(ratings_list)
B = 4       # num_bases


def setup_inputs(seed: int = 0) -> dict:
    key = jax.random.key(seed)
    ks = jax.random.split(key, 6)
    edge_index = jax.random.randint(ks[0], (2, E), 0, N)
    edge_type = jax.random.randint(ks[1], (E,), 0, R)
    # RGCNConv with x=None: input features are implicit one-hot node ids, so the
    # per-relation weight [R, N, D] acts as R relation-specific node embedding tables.
    # Basis decomposition: weight[r] = sum_b comp[r, b] * bases[b]
    bases = jax.random.normal(ks[2], (B, N, D), dtype=jnp.float32) * 0.02
    comp = jax.random.normal(ks[3], (R, B), dtype=jnp.float32)
    root = jax.random.normal(ks[4], (N, D), dtype=jnp.float32) * 0.02  # root weight row per node (one-hot x)
    bias = jnp.zeros((D,), dtype=jnp.float32)
    return {"edge_index": edge_index, "edge_type": edge_type, "bases": bases,
            "comp": comp, "root": root, "bias": bias}


def reference(edge_index, edge_type, bases, comp, root, bias):
    # social_encoder(None, edge_idx, edge_type): RGCNConv forward with basis decomposition.
    n_nodes, d_out = root.shape
    # Compose per-relation weights from bases: [R, N, D]
    W = jnp.einsum('rb,bnd->rnd', comp, bases)
    src = edge_index[0]
    dst = edge_index[1]
    # Message for edge e with relation r: row src_e of W[r] (one-hot input gather)
    msg = W[edge_type, src]  # [E, D]
    # Mean aggregation over incoming edges per destination node
    ones = jnp.ones((src.shape[0],), dtype=msg.dtype)
    deg = jax.ops.segment_sum(ones, dst, num_segments=n_nodes)
    agg = jax.ops.segment_sum(msg, dst, num_segments=n_nodes)
    agg = agg / jnp.clip(deg, 1.0, None)[:, None]
    # Root (self) transform of one-hot x is just the corresponding row of root weight
    out = agg + root + bias[None, :]
    return out

if __name__ == "__main__":
    import jax
    _d = setup_inputs()
    print(jax.jit(kernel)(*tuple(_d.values())))

</pallas_src>

<mosaic_0001>
#map = affine_map<(d0, d1) -> (0, 0)>
#map1 = affine_map<(d0, d1) -> (0)>
#map2 = affine_map<(d0, d1) -> (0, 0, 0)>
module attributes {stable_mosaic.version = 14 : i64} {
  func.func @sc_agg(%arg0: i32, %arg1: i32, %arg2: memref<60000x128xf32, #tpu.memory_space<hbm>>, %arg3: memref<323584xi32, #tpu.memory_space<hbm>>, %arg4: memref<323584xi32, #tpu.memory_space<hbm>>, %arg5: memref<32x79x128xi32, #tpu.memory_space<hbm>>, %arg6: memref<20480x128xf32, #tpu.memory_space<hbm>>, %arg7: memref<20480xf32, #tpu.memory_space<hbm>>, %arg8: memref<10112xi32, #tpu.memory_space<vmem>>, %arg9: memref<10112xi32, #tpu.memory_space<vmem>>, %arg10: memref<79x128xi32, #tpu.memory_space<vmem>>, %arg11: memref<128x128xf32, #tpu.memory_space<vmem>>, %arg12: memref<128xf32, #tpu.memory_space<vmem>>, %arg13: memref<640xf32, #tpu.memory_space<vmem>>, %arg14: memref<10240x128xf32, #tpu.memory_space<vmem_shared>>, %arg15: memref<10240xf32, #tpu.memory_space<vmem_shared>>, %arg16: memref<!tpu.dma_semaphore, #tpu.memory_space<semaphore_mem>>) attributes {dimension_semantics = [#tpu.dimension_semantics<core_parallel>, #tpu.dimension_semantics<subcore_parallel>], iteration_bounds = array<i64: 2, 16>, scalar_prefetch = 0 : i64, scratch_operands = 9 : i64, tpu.core_type = #tpu.core_type<sc_vector_subcore>, window_params = [{transform_indices = #map}, {transform_indices = #map1}, {transform_indices = #map1}, {transform_indices = #map2}, {transform_indices = #map}, {transform_indices = #map1}]} {
    %mul3A = arith.constant 16 : i32
    %mul3A_0 = arith.muli %arg0, %mul3A : i32
    %add3A = arith.addi %mul3A_0, %arg1 : i32
    %mul3A_1 = arith.constant 640 : i32
    %mul3A_2 = arith.muli %arg1, %mul3A_1 : i32
    %scan3A = arith.constant 0 : i32
    %scan3A_3 = arith.constant 0 : i32
    %scan3A_4 = arith.constant 128 : i32
    %scan3A_5 = arith.addi %scan3A_3, %scan3A_4 : i32
    %scan3A_6 = arith.constant 1 : i32
    scf.for %scan3A_108 = %scan3A_3 to %scan3A_5 step %scan3A_6  : i32 {
      %broadcast_in_dim3A_109 = arith.constant 0.000000e+00 : f32
      %broadcast_in_dim3A_110 = vector.broadcast %broadcast_in_dim3A_109 : f32 to vector<16xf32>
      %swap3A_111 = arith.index_cast %scan3A_108 : i32 to index
      %swap3A_112 = arith.constant 0 : index
      %swap3A_113 = tpu.vector_load %arg11[%swap3A_111, %swap3A_112] {strides = array<i32>} : memref<128x128xf32, #tpu.memory_space<vmem>>, vector<1x16xf32>,
      %swap3A_114 = vector.shape_cast %swap3A_113 : vector<1x16xf32> to vector<16xf32>
      %swap3A_115 = vector.shape_cast %broadcast_in_dim3A_110 : vector<16xf32> to vector<1x16xf32>
      tpu.vector_store %arg11[%swap3A_111, %swap3A_112], %swap3A_115 {strides = array<i32>} : memref<128x128xf32, #tpu.memory_space<vmem>>, vector<1x16xf32>,
      %broadcast_in_dim3A_116 = arith.constant 0.000000e+00 : f32
      %broadcast_in_dim3A_117 = vector.broadcast %broadcast_in_dim3A_116 : f32 to vector<16xf32>
      %swap3A_118 = arith.index_cast %scan3A_108 : i32 to index
      %swap3A_119 = arith.constant 16 : index
      %swap3A_120 = tpu.vector_load %arg11[%swap3A_118, %swap3A_119] {strides = array<i32>} : memref<128x128xf32, #tpu.memory_space<vmem>>, vector<1x16xf32>,
      %swap3A_121 = vector.shape_cast %swap3A_120 : vector<1x16xf32> to vector<16xf32>
      %swap3A_122 = vector.shape_cast %broadcast_in_dim3A_117 : vector<16xf32> to vector<1x16xf32>
      tpu.vector_store %arg11[%swap3A_118, %swap3A_119], %swap3A_122 {strides = array<i32>} : memref<128x128xf32, #tpu.memory_space<vmem>>, vector<1x16xf32>,
      %broadcast_in_dim3A_123 = arith.constant 0.000000e+00 : f32
      %broadcast_in_dim3A_124 = vector.broadcast %broadcast_in_dim3A_123 : f32 to vector<16xf32>
      %swap3A_125 = arith.index_cast %scan3A_108 : i32 to index
      %swap3A_126 = arith.constant 32 : index
      %swap3A_127 = tpu.vector_load %arg11[%swap3A_125, %swap3A_126] {strides = array<i32>} : memref<128x128xf32, #tpu.memory_space<vmem>>, vector<1x16xf32>,
      %swap3A_128 = vector.shape_cast %swap3A_127 : vector<1x16xf32> to vector<16xf32>
      %swap3A_129 = vector.shape_cast %broadcast_in_dim3A_124 : vector<16xf32> to vector<1x16xf32>
      tpu.vector_store %arg11[%swap3A_125, %swap3A_126], %swap3A_129 {strides = array<i32>} : memref<128x128xf32, #tpu.memory_space<vmem>>, vector<1x16xf32>,
      %broadcast_in_dim3A_130 = arith.constant 0.000000e+00 : f32
      %broadcast_in_dim3A_131 = vector.broadcast %broadcast_in_dim3A_130 : f32 to vector<16xf32>
      %swap3A_132 = arith.index_cast %scan3A_108 : i32 to index
      %swap3A_133 = arith.constant 48 : index
      %swap3A_134 = tpu.vector_load %arg11[%swap3A_132, %swap3A_133] {strides = array<i32>} : memref<128x128xf32, #tpu.memory_space<vmem>>, vector<1x16xf32>,
      %swap3A_135 = vector.shape_cast %swap3A_134 : vector<1x16xf32> to vector<16xf32>
      %swap3A_136 = vector.shape_cast %broadcast_in_dim3A_131 : vector<16xf32> to vector<1x16xf32>
      tpu.vector_store %arg11[%swap3A_132, %swap3A_133], %swap3A_136 {strides = array<i32>} : memref<128x128xf32, #tpu.memory_space<vmem>>, vector<1x16xf32>,
      %broadcast_in_dim3A_137 = arith.constant 0.000000e+00 : f32
      %broadcast_in_dim3A_138 = vector.broadcast %broadcast_in_dim3A_137 : f32 to vector<16xf32>
      %swap3A_139 = arith.index_cast %scan3A_108 : i32 to index
      %swap3A_140 = arith.constant 64 : index
      %swap3A_141 = tpu.vector_load %arg11[%swap3A_139, %swap3A_140] {strides = array<i32>} : memref<128x128xf32, #tpu.memory_space<vmem>>, vector<1x16xf32>,
      %swap3A_142 = vector.shape_cast %swap3A_141 : vector<1x16xf32> to vector<16xf32>
      %swap3A_143 = vector.shape_cast %broadcast_in_dim3A_138 : vector<16xf32> to vector<1x16xf32>
      tpu.vector_store %arg11[%swap3A_139, %swap3A_140], %swap3A_143 {strides = array<i32>} : memref<128x128xf32, #tpu.memory_space<vmem>>, vector<1x16xf32>,
      %broadcast_in_dim3A_144 = arith.constant 0.000000e+00 : f32
      %broadcast_in_dim3A_145 = vector.broadcast %broadcast_in_dim3A_144 : f32 to vector<16xf32>
      %swap3A_146 = arith.index_cast %scan3A_108 : i32 to index
      %swap3A_147 = arith.constant 80 : index
      %swap3A_148 = tpu.vector_load %arg11[%swap3A_146, %swap3A_147] {strides = array<i32>} : memref<128x128xf32, #tpu.memory_space<vmem>>, vector<1x16xf32>,
      %swap3A_149 = vector.shape_cast %swap3A_148 : vector<1x16xf32> to vector<16xf32>
      %swap3A_150 = vector.shape_cast %broadcast_in_dim3A_145 : vector<16xf32> to vector<1x16xf32>
      tpu.vector_store %arg11[%swap3A_146, %swap3A_147], %swap3A_150 {strides = array<i32>} : memref<128x128xf32, #tpu.memory_space<vmem>>, vector<1x16xf32>,
      %broadcast_in_dim3A_151 = arith.constant 0.000000e+00 : f32
      %broadcast_in_dim3A_152 = vector.broadcast %broadcast_in_dim3A_151 : f32 to vector<16xf32>
      %swap3A_153 = arith.index_cast %scan3A_108 : i32 to index
      %swap3A_154 = arith.constant 96 : index
      %swap3A_155 = tpu.vector_load %arg11[%swap3A_153, %swap3A_154] {strides = array<i32>} : memref<128x128xf32, #tpu.memory_space<vmem>>, vector<1x16xf32>,
      %swap3A_156 = vector.shape_cast %swap3A_155 : vector<1x16xf32> to vector<16xf32>
      %swap3A_157 = vector.shape_cast %broadcast_in_dim3A_152 : vector<16xf32> to vector<1x16xf32>
      tpu.vector_store %arg11[%swap3A_153, %swap3A_154], %swap3A_157 {strides = array<i32>} : memref<128x128xf32, #tpu.memory_space<vmem>>, vector<1x16xf32>,
      %broadcast_in_dim3A_158 = arith.constant 0.000000e+00 : f32
      %broadcast_in_dim3A_159 = vector.broadcast %broadcast_in_dim3A_158 : f32 to vector<16xf32>
      %swap3A_160 = arith.index_cast %scan3A_108 : i32 to index
      %swap3A_161 = arith.constant 112 : index
      %swap3A_162 = tpu.vector_load %arg11[%swap3A_160, %swap3A_161] {strides = array<i32>} : memref<128x128xf32, #tpu.memory_space<vmem>>, vector<1x16xf32>,
      %swap3A_163 = vector.shape_cast %swap3A_162 : vector<1x16xf32> to vector<16xf32>
      %swap3A_164 = vector.shape_cast %broadcast_in_dim3A_159 : vector<16xf32> to vector<1x16xf32>
      tpu.vector_store %arg11[%swap3A_160, %swap3A_161], %swap3A_164 {strides = array<i32>} : memref<128x128xf32, #tpu.memory_space<vmem>>, vector<1x16xf32>,
    }
    %scan3A_7 = arith.constant 128 : i32
    %broadcast_in_dim3A = arith.constant 1.000000e+00 : f32
    %broadcast_in_dim3A_8 = vector.broadcast %broadcast_in_dim3A : f32 to vector<16xf32>
    %swap3A = arith.constant 0 : index
    %swap3A_9 = tpu.vector_load %arg12[%swap3A] {strides = array<i32>} : memref<128xf32, #tpu.memory_space<vmem>>, vector<16xf32>,
    %swap3A_10 = vector.shape_cast %swap3A_9 : vector<16xf32> to vector<16xf32>
    %swap3A_11 = vector.shape_cast %broadcast_in_dim3A_8 : vector<16xf32> to vector<16xf32>
    tpu.vector_store %arg12[%swap3A], %swap3A_11 {strides = array<i32>} : memref<128xf32, #tpu.memory_space<vmem>>, vector<16xf32>,
    %broadcast_in_dim3A_12 = arith.constant 1.000000e+00 : f32
    %broadcast_in_dim3A_13 = vector.broadcast %broadcast_in_dim3A_12 : f32 to vector<16xf32>
    %swap3A_14 = arith.constant 16 : index
    %swap3A_15 = tpu.vector_load %arg12[%swap3A_14] {strides = array<i32>} : memref<128xf32, #tpu.memory_space<vmem>>, vector<16xf32>,
    %swap3A_16 = vector.shape_cast %swap3A_15 : vector<16xf32> to vector<16xf32>
    %swap3A_17 = vector.shape_cast %broadcast_in_dim3A_13 : vector<16xf32> to vector<16xf32>
    tpu.vector_store %arg12[%swap3A_14], %swap3A_17 {strides = array<i32>} : memref<128xf32, #tpu.memory_space<vmem>>, vector<16xf32>,
    %broadcast_in_dim3A_18 = arith.constant 1.000000e+00 : f32
    %broadcast_in_dim3A_19 = vector.broadcast %broadcast_in_dim3A_18 : f32 to vector<16xf32>
    %swap3A_20 = arith.constant 32 : index
    %swap3A_21 = tpu.vector_load %arg12[%swap3A_20] {strides = array<i32>} : memref<128xf32, #tpu.memory_space<vmem>>, vector<16xf32>,
    %swap3A_22 = vector.shape_cast %swap3A_21 : vector<16xf32> to vector<16xf32>
    %swap3A_23 = vector.shape_cast %broadcast_in_dim3A_19 : vector<16xf32> to vector<16xf32>
    tpu.vector_store %arg12[%swap3A_20], %swap3A_23 {strides = array<i32>} : memref<128xf32, #tpu.memory_space<vmem>>, vector<16xf32>,
    %broadcast_in_dim3A_24 = arith.constant 1.000000e+00 : f32
    %broadcast_in_dim3A_25 = vector.broadcast %broadcast_in_dim3A_24 : f32 to vector<16xf32>
    %swap3A_26 = arith.constant 48 : index
    %swap3A_27 = tpu.vector_load %arg12[%swap3A_26] {strides = array<i32>} : memref<128xf32, #tpu.memory_space<vmem>>, vector<16xf32>,
    %swap3A_28 = vector.shape_cast %swap3A_27 : vector<16xf32> to vector<16xf32>
    %swap3A_29 = vector.shape_cast %broadcast_in_dim3A_25 : vector<16xf32> to vector<16xf32>
    tpu.vector_store %arg12[%swap3A_26], %swap3A_29 {strides = array<i32>} : memref<128xf32, #tpu.memory_space<vmem>>, vector<16xf32>,
    %broadcast_in_dim3A_30 = arith.constant 1.000000e+00 : f32
    %broadcast_in_dim3A_31 = vector.broadcast %broadcast_in_dim3A_30 : f32 to vector<16xf32>
    %swap3A_32 = arith.constant 64 : index
    %swap3A_33 = tpu.vector_load %arg12[%swap3A_32] {strides = array<i32>} : memref<128xf32, #tpu.memory_space<vmem>>, vector<16xf32>,
    %swap3A_34 = vector.shape_cast %swap3A_33 : vector<16xf32> to vector<16xf32>
    %swap3A_35 = vector.shape_cast %broadcast_in_dim3A_31 : vector<16xf32> to vector<16xf32>
    tpu.vector_store %arg12[%swap3A_32], %swap3A_35 {strides = array<i32>} : memref<128xf32, #tpu.memory_space<vmem>>, vector<16xf32>,
    %broadcast_in_dim3A_36 = arith.constant 1.000000e+00 : f32
    %broadcast_in_dim3A_37 = vector.broadcast %broadcast_in_dim3A_36 : f32 to vector<16xf32>
    %swap3A_38 = arith.constant 80 : index
    %swap3A_39 = tpu.vector_load %arg12[%swap3A_38] {strides = array<i32>} : memref<128xf32, #tpu.memory_space<vmem>>, vector<16xf32>,
    %swap3A_40 = vector.shape_cast %swap3A_39 : vector<16xf32> to vector<16xf32>
    %swap3A_41 = vector.shape_cast %broadcast_in_dim3A_37 : vector<16xf32> to vector<16xf32>
    tpu.vector_store %arg12[%swap3A_38], %swap3A_41 {strides = array<i32>} : memref<128xf32, #tpu.memory_space<vmem>>, vector<16xf32>,
    %broadcast_in_dim3A_42 = arith.constant 1.000000e+00 : f32
    %broadcast_in_dim3A_43 = vector.broadcast %broadcast_in_dim3A_42 : f32 to vector<16xf32>
    %swap3A_44 = arith.constant 96 : index
    %swap3A_45 = tpu.vector_load %arg12[%swap3A_44] {strides = array<i32>} : memref<128xf32, #tpu.memory_space<vmem>>, vector<16xf32>,
    %swap3A_46 = vector.shape_cast %swap3A_45 : vector<16xf32> to vector<16xf32>
    %swap3A_47 = vector.shape_cast %broadcast_in_dim3A_43 : vector<16xf32> to vector<16xf32>
    tpu.vector_store %arg12[%swap3A_44], %swap3A_47 {strides = array<i32>} : memref<128xf32, #tpu.memory_space<vmem>>, vector<16xf32>,
    %broadcast_in_dim3A_48 = arith.constant 1.000000e+00 : f32
    %broadcast_in_dim3A_49 = vector.broadcast %broadcast_in_dim3A_48 : f32 to vector<16xf32>
    %swap3A_50 = arith.constant 112 : index
    %swap3A_51 = tpu.vector_load %arg12[%swap3A_50] {strides = array<i32>} : memref<128xf32, #tpu.memory_space<vmem>>, vector<16xf32>,
    %swap3A_52 = vector.shape_cast %swap3A_51 : vector<16xf32> to vector<16xf32>
    %swap3A_53 = vector.shape_cast %broadcast_in_dim3A_49 : vector<16xf32> to vector<16xf32>
    tpu.vector_store %arg12[%swap3A_50], %swap3A_53 {strides = array<i32>} : memref<128xf32, #tpu.memory_space<vmem>>, vector<16xf32>,
    %scan3A_54 = arith.constant 0 : i32
    %scan3A_55 = arith.constant 0 : i32
    %scan3A_56 = arith.constant 40 : i32
    %scan3A_57 = arith.addi %scan3A_55, %scan3A_56 : i32
    %scan3A_58 = arith.constant 1 : i32
    scf.for %scan3A_108 = %scan3A_55 to %scan3A_57 step %scan3A_58  : i32 {
      %broadcast_in_dim3A_109 = arith.constant 0.000000e+00 : f32
      %broadcast_in_dim3A_110 = vector.broadcast %broadcast_in_dim3A_109 : f32 to vector<16xf32>
      %mul3A_111 = arith.constant 16 : i32
      %mul3A_112 = arith.muli %scan3A_108, %mul3A_111 : i32
      %swap3A_113 = arith.index_cast %mul3A_112 : i32 to index
      %swap3A_114 = tpu.vector_load %arg13[%swap3A_113] {strides = array<i32>} : memref<640xf32, #tpu.memory_space<vmem>>, vector<16xf32>,
      %swap3A_115 = vector.shape_cast %swap3A_114 : vector<16xf32> to vector<16xf32>
      %swap3A_116 = vector.shape_cast %broadcast_in_dim3A_110 : vector<16xf32> to vector<16xf32>
      tpu.vector_store %arg13[%swap3A_113], %swap3A_116 {strides = array<i32>} : memref<640xf32, #tpu.memory_space<vmem>>, vector<16xf32>,
    }
    %scan3A_59 = arith.constant 40 : i32
    %add3A_60 = arith.constant 0 : i32
    %add3A_61 = arith.addi %mul3A_2, %add3A_60 : i32
    "tpu.region"() ({
      %run_scoped3A = tpu.sem_alloc : memref<!tpu.dma_semaphore, #tpu.memory_space<semaphore_mem>>
      %dma_start3A = arith.constant 0 : i32
      %dma_start3A_108 = tpu.memref_slice %arg14[%add3A_61, %dma_start3A] : memref<10240x128xf32, #tpu.memory_space<vmem_shared>> -> memref<128x128xf32, #tpu.memory_space<vmem_shared>>
      %dma_start3A_109 = arith.constant 0 : i32
      %dma_start3A_110 = tpu.memref_slice %arg14[%add3A_61, %dma_start3A_109] : memref<10240x128xf32, #tpu.memory_space<vmem_shared>> -> memref<128x128xf32, #tpu.memory_space<vmem_shared>>
      tpu.enqueue_dma source(%arg11 : memref<128x128xf32, #tpu.memory_space<vmem>>) target(%dma_start3A_110 : memref<128x128xf32, #tpu.memory_space<vmem_shared>>) target_semaphore(%run_scoped3A : memref<!tpu.dma_semaphore, #tpu.memory_space<semaphore_mem>>)
      %dma_wait3A = arith.constant 0 : i32
      %dma_wait3A_111 = tpu.memref_slice %arg14[%add3A_61, %dma_wait3A] : memref<10240x128xf32, #tpu.memory_space<vmem_shared>> -> memref<128x128xf32, #tpu.memory_space<vmem_shared>>
      %dma_wait3A_112 = arith.constant 0 : i32
      %dma_wait3A_113 = tpu.memref_slice %arg14[%add3A_61, %dma_wait3A_112] : memref<10240x128xf32, #tpu.memory_space<vmem_shared>> -> memref<128x128xf32, #tpu.memory_space<vmem_shared>>
      tpu.wait_dma2 semaphore(%run_scoped3A : memref<!tpu.dma_semaphore, #tpu.memory_space<semaphore_mem>>) src(%arg11 : memref<128x128xf32, #tpu.memory_space<vmem>>) dst(%dma_wait3A_113 : memref<128x128xf32, #tpu.memory_space<vmem_shared>>)
      tpu.yield
    }) : () -> ()
    %add3A_62 = arith.constant 128 : i32
    %add3A_63 = arith.addi %mul3A_2, %add3A_62 : i32
    "tpu.region"() ({
      %run_scoped3A = tpu.sem_alloc : memref<!tpu.dma_semaphore, #tpu.memory_space<semaphore_mem>>
      %dma_start3A = arith.constant 0 : i32
      %dma_start3A_108 = tpu.memref_slice %arg14[%add3A_63, %dma_start3A] : memref<10240x128xf32, #tpu.memory_space<vmem_shared>> -> memref<128x128xf32, #tpu.memory_space<vmem_shared>>
      %dma_start3A_109 = arith.constant 0 : i32
      %dma_start3A_110 = tpu.memref_slice %arg14[%add3A_63, %dma_start3A_109] : memref<10240x128xf32, #tpu.memory_space<vmem_shared>> -> memref<128x128xf32, #tpu.memory_space<vmem_shared>>
      tpu.enqueue_dma source(%arg11 : memref<128x128xf32, #tpu.memory_space<vmem>>) target(%dma_start3A_110 : memref<128x128xf32, #tpu.memory_space<vmem_shared>>) target_semaphore(%run_scoped3A : memref<!tpu.dma_semaphore, #tpu.memory_space<semaphore_mem>>)
      %dma_wait3A = arith.constant 0 : i32
      %dma_wait3A_111 = tpu.memref_slice %arg14[%add3A_63, %dma_wait3A] : memref<10240x128xf32, #tpu.memory_space<vmem_shared>> -> memref<128x128xf32, #tpu.memory_space<vmem_shared>>
      %dma_wait3A_112 = arith.constant 0 : i32
      %dma_wait3A_113 = tpu.memref_slice %arg14[%add3A_63, %dma_wait3A_112] : memref<10240x128xf32, #tpu.memory_space<vmem_shared>> -> memref<128x128xf32, #tpu.memory_space<vmem_shared>>
      tpu.wait_dma2 semaphore(%run_scoped3A : memref<!tpu.dma_semaphore, #tpu.memory_space<semaphore_mem>>) src(%arg11 : memref<128x128xf32, #tpu.memory_space<vmem>>) dst(%dma_wait3A_113 : memref<128x128xf32, #tpu.memory_space<vmem_shared>>)
      tpu.yield
    }) : () -> ()
    %add3A_64 = arith.constant 256 : i32
    %add3A_65 = arith.addi %mul3A_2, %add3A_64 : i32
    "tpu.region"() ({
      %run_scoped3A = tpu.sem_alloc : memref<!tpu.dma_semaphore, #tpu.memory_space<semaphore_mem>>
      %dma_start3A = arith.constant 0 : i32
      %dma_start3A_108 = tpu.memref_slice %arg14[%add3A_65, %dma_start3A] : memref<10240x128xf32, #tpu.memory_space<vmem_shared>> -> memref<128x128xf32, #tpu.memory_space<vmem_shared>>
      %dma_start3A_109 = arith.constant 0 : i32
      %dma_start3A_110 = tpu.memref_slice %arg14[%add3A_65, %dma_start3A_109] : memref<10240x128xf32, #tpu.memory_space<vmem_shared>> -> memref<128x128xf32, #tpu.memory_space<vmem_shared>>
      tpu.enqueue_dma source(%arg11 : memref<128x128xf32, #tpu.memory_space<vmem>>) target(%dma_start3A_110 : memref<128x128xf32, #tpu.memory_space<vmem_shared>>) target_semaphore(%run_scoped3A : memref<!tpu.dma_semaphore, #tpu.memory_space<semaphore_mem>>)
      %dma_wait3A = arith.constant 0 : i32
      %dma_wait3A_111 = tpu.memref_slice %arg14[%add3A_65, %dma_wait3A] : memref<10240x128xf32, #tpu.memory_space<vmem_shared>> -> memref<128x128xf32, #tpu.memory_space<vmem_shared>>
      %dma_wait3A_112 = arith.constant 0 : i32
      %dma_wait3A_113 = tpu.memref_slice %arg14[%add3A_65, %dma_wait3A_112] : memref<10240x128xf32, #tpu.memory_space<vmem_shared>> -> memref<128x128xf32, #tpu.memory_space<vmem_shared>>
      tpu.wait_dma2 semaphore(%run_scoped3A : memref<!tpu.dma_semaphore, #tpu.memory_space<semaphore_mem>>) src(%arg11 : memref<128x128xf32, #tpu.memory_space<vmem>>) dst(%dma_wait3A_113 : memref<128x128xf32, #tpu.memory_space<vmem_shared>>)
      tpu.yield
    }) : () -> ()
    %add3A_66 = arith.constant 384 : i32
    %add3A_67 = arith.addi %mul3A_2, %add3A_66 : i32
    "tpu.region"() ({
      %run_scoped3A = tpu.sem_alloc : memref<!tpu.dma_semaphore, #tpu.memory_space<semaphore_mem>>
      %dma_start3A = arith.constant 0 : i32
      %dma_start3A_108 = tpu.memref_slice %arg14[%add3A_67, %dma_start3A] : memref<10240x128xf32, #tpu.memory_space<vmem_shared>> -> memref<128x128xf32, #tpu.memory_space<vmem_shared>>
      %dma_start3A_109 = arith.constant 0 : i32
      %dma_start3A_110 = tpu.memref_slice %arg14[%add3A_67, %dma_start3A_109] : memref<10240x128xf32, #tpu.memory_space<vmem_shared>> -> memref<128x128xf32, #tpu.memory_space<vmem_shared>>
      tpu.enqueue_dma source(%arg11 : memref<128x128xf32, #tpu.memory_space<vmem>>) target(%dma_start3A_110 : memref<128x128xf32, #tpu.memory_space<vmem_shared>>) target_semaphore(%run_scoped3A : memref<!tpu.dma_semaphore, #tpu.memory_space<semaphore_mem>>)
      %dma_wait3A = arith.constant 0 : i32
      %dma_wait3A_111 = tpu.memref_slice %arg14[%add3A_67, %dma_wait3A] : memref<10240x128xf32, #tpu.memory_space<vmem_shared>> -> memref<128x128xf32, #tpu.memory_space<vmem_shared>>
      %dma_wait3A_112 = arith.constant 0 : i32
      %dma_wait3A_113 = tpu.memref_slice %arg14[%add3A_67, %dma_wait3A_112] : memref<10240x128xf32, #tpu.memory_space<vmem_shared>> -> memref<128x128xf32, #tpu.memory_space<vmem_shared>>
      tpu.wait_dma2 semaphore(%run_scoped3A : memref<!tpu.dma_semaphore, #tpu.memory_space<semaphore_mem>>) src(%arg11 : memref<128x128xf32, #tpu.memory_space<vmem>>) dst(%dma_wait3A_113 : memref<128x128xf32, #tpu.memory_space<vmem_shared>>)
      tpu.yield
    }) : () -> ()
    %add3A_68 = arith.constant 512 : i32
    %add3A_69 = arith.addi %mul3A_2, %add3A_68 : i32
    "tpu.region"() ({
      %run_scoped3A = tpu.sem_alloc : memref<!tpu.dma_semaphore, #tpu.memory_space<semaphore_mem>>
      %dma_start3A = arith.constant 0 : i32
      %dma_start3A_108 = tpu.memref_slice %arg14[%add3A_69, %dma_start3A] : memref<10240x128xf32, #tpu.memory_space<vmem_shared>> -> memref<128x128xf32, #tpu.memory_space<vmem_shared>>
      %dma_start3A_109 = arith.constant 0 : i32
      %dma_start3A_110 = tpu.memref_slice %arg14[%add3A_69, %dma_start3A_109] : memref<10240x128xf32, #tpu.memory_space<vmem_shared>> -> memref<128x128xf32, #tpu.memory_space<vmem_shared>>
      tpu.enqueue_dma source(%arg11 : memref<128x128xf32, #tpu.memory_space<vmem>>) target(%dma_start3A_110 : memref<128x128xf32, #tpu.memory_space<vmem_shared>>) target_semaphore(%run_scoped3A : memref<!tpu.dma_semaphore, #tpu.memory_space<semaphore_mem>>)
      %dma_wait3A = arith.constant 0 : i32
      %dma_wait3A_111 = tpu.memref_slice %arg14[%add3A_69, %dma_wait3A] : memref<10240x128xf32, #tpu.memory_space<vmem_shared>> -> memref<128x128xf32, #tpu.memory_space<vmem_shared>>
      %dma_wait3A_112 = arith.constant 0 : i32
      %dma_wait3A_113 = tpu.memref_slice %arg14[%add3A_69, %dma_wait3A_112] : memref<10240x128xf32, #tpu.memory_space<vmem_shared>> -> memref<128x128xf32, #tpu.memory_space<vmem_shared>>
      tpu.wait_dma2 semaphore(%run_scoped3A : memref<!tpu.dma_semaphore, #tpu.memory_space<semaphore_mem>>) src(%arg11 : memref<128x128xf32, #tpu.memory_space<vmem>>) dst(%dma_wait3A_113 : memref<128x128xf32, #tpu.memory_space<vmem_shared>>)
      tpu.yield
    }) : () -> ()
    "tpu.region"() ({
      %run_scoped3A = tpu.sem_alloc : memref<!tpu.dma_semaphore, #tpu.memory_space<semaphore_mem>>
      %dma_start3A = tpu.memref_slice %arg15[%mul3A_2] : memref<10240xf32, #tpu.memory_space<vmem_shared>> -> memref<640xf32, #tpu.memory_space<vmem_shared>>
      %dma_start3A_108 = tpu.memref_slice %arg15[%mul3A_2] : memref<10240xf32, #tpu.memory_space<vmem_shared>> -> memref<640xf32, #tpu.memory_space<vmem_shared>>
      tpu.enqueue_dma source(%arg13 : memref<640xf32, #tpu.memory_space<vmem>>) target(%dma_start3A_108 : memref<640xf32, #tpu.memory_space<vmem_shared>>) target_semaphore(%run_scoped3A : memref<!tpu.dma_semaphore, #tpu.memory_space<semaphore_mem>>)
      %dma_wait3A = tpu.memref_slice %arg15[%mul3A_2] : memref<10240xf32, #tpu.memory_space<vmem_shared>> -> memref<640xf32, #tpu.memory_space<vmem_shared>>
      %dma_wait3A_109 = tpu.memref_slice %arg15[%mul3A_2] : memref<10240xf32, #tpu.memory_space<vmem_shared>> -> memref<640xf32, #tpu.memory_space<vmem_shared>>
      tpu.wait_dma2 semaphore(%run_scoped3A : memref<!tpu.dma_semaphore, #tpu.memory_space<semaphore_mem>>) src(%arg13 : memref<640xf32, #tpu.memory_space<vmem>>) dst(%dma_wait3A_109 : memref<640xf32, #tpu.memory_space<vmem_shared>>)
      tpu.yield
    }) : () -> ()
    %barrier3A = arith.constant 0 : index
    tpu.barrier barrier_id(%barrier3A)
    %mul3A_70 = arith.constant 10112 : i32
    %mul3A_71 = arith.muli %add3A, %mul3A_70 : i32
    "tpu.region"() ({
      %run_scoped3A = tpu.sem_alloc : memref<!tpu.dma_semaphore, #tpu.memory_space<semaphore_mem>>
      %dma_start3A = tpu.memref_slice %arg3[%mul3A_71] : memref<323584xi32, #tpu.memory_space<hbm>> -> memref<10112xi32, #tpu.memory_space<hbm>>
      %dma_start3A_108 = tpu.memref_slice %arg3[%mul3A_71] : memref<323584xi32, #tpu.memory_space<hbm>> -> memref<10112xi32, #tpu.memory_space<hbm>>
      tpu.enqueue_dma source(%dma_start3A_108 : memref<10112xi32, #tpu.memory_space<hbm>>) target(%arg8 : memref<10112xi32, #tpu.memory_space<vmem>>) target_semaphore(%run_scoped3A : memref<!tpu.dma_semaphore, #tpu.memory_space<semaphore_mem>>)
      %dma_wait3A = tpu.memref_slice %arg3[%mul3A_71] : memref<323584xi32, #tpu.memory_space<hbm>> -> memref<10112xi32, #tpu.memory_space<hbm>>
      %dma_wait3A_109 = tpu.memref_slice %arg3[%mul3A_71] : memref<323584xi32, #tpu.memory_space<hbm>> -> memref<10112xi32, #tpu.memory_space<hbm>>
      tpu.wait_dma2 semaphore(%run_scoped3A : memref<!tpu.dma_semaphore, #tpu.memory_space<semaphore_mem>>) src(%dma_wait3A_109 : memref<10112xi32, #tpu.memory_space<hbm>>) dst(%arg8 : memref<10112xi32, #tpu.memory_space<vmem>>)
      tpu.yield
    }) : () -> ()
    "tpu.region"() ({
      %run_scoped3A = tpu.sem_alloc : memref<!tpu.dma_semaphore, #tpu.memory_space<semaphore_mem>>
      %dma_start3A = tpu.memref_slice %arg4[%mul3A_71] : memref<323584xi32, #tpu.memory_space<hbm>> -> memref<10112xi32, #tpu.memory_space<hbm>>
      %dma_start3A_108 = tpu.memref_slice %arg4[%mul3A_71] : memref<323584xi32, #tpu.memory_space<hbm>> -> memref<10112xi32, #tpu.memory_space<hbm>>
      tpu.enqueue_dma source(%dma_start3A_108 : memref<10112xi32, #tpu.memory_space<hbm>>) target(%arg9 : memref<10112xi32, #tpu.memory_space<vmem>>) target_semaphore(%run_scoped3A : memref<!tpu.dma_semaphore, #tpu.memory_space<semaphore_mem>>)
      %dma_wait3A = tpu.memref_slice %arg4[%mul3A_71] : memref<323584xi32, #tpu.memory_space<hbm>> -> memref<10112xi32, #tpu.memory_space<hbm>>
      %dma_wait3A_109 = tpu.memref_slice %arg4[%mul3A_71] : memref<323584xi32, #tpu.memory_space<hbm>> -> memref<10112xi32, #tpu.memory_space<hbm>>
      tpu.wait_dma2 semaphore(%run_scoped3A : memref<!tpu.dma_semaphore, #tpu.memory_space<semaphore_mem>>) src(%dma_wait3A_109 : memref<10112xi32, #tpu.memory_space<hbm>>) dst(%arg9 : memref<10112xi32, #tpu.memory_space<vmem>>)
      tpu.yield
    }) : () -> ()
    "tpu.region"() ({
      %run_scoped3A = tpu.sem_alloc : memref<!tpu.dma_semaphore, #tpu.memory_space<semaphore_mem>>
      %dma_start3A = arith.constant 0 : i32
      %dma_start3A_108 = arith.constant 0 : i32
      %dma_start3A_109 = tpu.memref_slice %arg5[%add3A, %dma_start3A, %dma_start3A_108] : memref<32x79x128xi32, #tpu.memory_space<hbm>> -> memref<1x79x128xi32, #tpu.memory_space<hbm>>
      %dma_start3A_110 = tpu.memref_squeeze %dma_start3A_109 : memref<1x79x128xi32, #tpu.memory_space<hbm>> -> memref<79x128xi32, #tpu.memory_space<hbm>>
      %dma_start3A_111 = arith.constant 0 : i32
      %dma_start3A_112 = arith.constant 0 : i32
      %dma_start3A_113 = tpu.memref_slice %arg5[%add3A, %dma_start3A_111, %dma_start3A_112] : memref<32x79x128xi32, #tpu.memory_space<hbm>> -> memref<1x79x128xi32, #tpu.memory_space<hbm>>
      %dma_start3A_114 = tpu.memref_squeeze %dma_start3A_113 : memref<1x79x128xi32, #tpu.memory_space<hbm>> -> memref<79x128xi32, #tpu.memory_space<hbm>>
      tpu.enqueue_dma source(%dma_start3A_114 : memref<79x128xi32, #tpu.memory_space<hbm>>) target(%arg10 : memref<79x128xi32, #tpu.memory_space<vmem>>) target_semaphore(%run_scoped3A : memref<!tpu.dma_semaphore, #tpu.memory_space<semaphore_mem>>)
      %dma_wait3A = arith.constant 0 : i32
      %dma_wait3A_115 = arith.constant 0 : i32
      %dma_wait3A_116 = tpu.memref_slice %arg5[%add3A, %dma_wait3A, %dma_wait3A_115] : memref<32x79x128xi32, #tpu.memory_space<hbm>> -> memref<1x79x128xi32, #tpu.memory_space<hbm>>
      %dma_wait3A_117 = tpu.memref_squeeze %dma_wait3A_116 : memref<1x79x128xi32, #tpu.memory_space<hbm>> -> memref<79x128xi32, #tpu.memory_space<hbm>>
      %dma_wait3A_118 = arith.constant 0 : i32
      %dma_wait3A_119 = arith.constant 0 : i32
      %dma_wait3A_120 = tpu.memref_slice %arg5[%add3A, %dma_wait3A_118, %dma_wait3A_119] : memref<32x79x128xi32, #tpu.memory_space<hbm>> -> memref<1x79x128xi32, #tpu.memory_space<hbm>>
      %dma_wait3A_121 = tpu.memref_squeeze %dma_wait3A_120 : memref<1x79x128xi32, #tpu.memory_space<hbm>> -> memref<79x128xi32, #tpu.memory_space<hbm>>
      tpu.wait_dma2 semaphore(%run_scoped3A : memref<!tpu.dma_semaphore, #tpu.memory_space<semaphore_mem>>) src(%dma_wait3A_121 : memref<79x128xi32, #tpu.memory_space<hbm>>) dst(%arg10 : memref<79x128xi32, #tpu.memory_space<vmem>>)
      tpu.yield
    }) : () -> ()
    %scan3A_72 = arith.constant 0 : i32
    %scan3A_73 = arith.constant 0 : i32
    %scan3A_74 = arith.constant 632 : i32
    %scan3A_75 = arith.addi %scan3A_73, %scan3A_74 : i32
    %scan3A_76 = arith.constant 1 : i32
    scf.for %scan3A_108 = %scan3A_73 to %scan3A_75 step %scan3A_76  : i32 {
      %mul3A_109 = arith.constant 16 : i32
      %mul3A_110 = arith.muli %scan3A_108, %mul3A_109 : i32
      %get3A = arith.index_cast %mul3A_110 : i32 to index
      %get3A_111 = tpu.vector_load %arg9[%get3A] {strides = array<i32>} : memref<10112xi32, #tpu.memory_space<vmem>>, vector<16xi32>,
      %get3A_112 = vector.shape_cast %get3A_111 : vector<16xi32> to vector<16xi32>
      %mul3A_113 = arith.constant 10000 : i32
      %mul3A_114 = vector.broadcast %mul3A_113 : i32 to vector<16xi32>
      %mul3A_115 = arith.muli %get3A_112, %mul3A_114 : vector<16xi32>
      %get3A_116 = arith.index_cast %mul3A_110 : i32 to index
      %get3A_117 = tpu.vector_load %arg8[%get3A_116] {strides = array<i32>} : memref<10112xi32, #tpu.memory_space<vmem>>, vector<16xi32>,
      %get3A_118 = vector.shape_cast %get3A_117 : vector<16xi32> to vector<16xi32>
      %add3A_119 = arith.addi %mul3A_115, %get3A_118 : vector<16xi32>
      %swap3A_120 = arith.index_cast %mul3A_110 : i32 to index
      %swap3A_121 = tpu.vector_load %arg8[%swap3A_120] {strides = array<i32>} : memref<10112xi32, #tpu.memory_space<vmem>>, vector<16xi32>,
      %swap3A_122 = vector.shape_cast %swap3A_121 : vector<16xi32> to vector<16xi32>
      %swap3A_123 = vector.shape_cast %add3A_119 : vector<16xi32> to vector<16xi32>
      tpu.vector_store %arg8[%swap3A_120], %swap3A_123 {strides = array<i32>} : memref<10112xi32, #tpu.memory_space<vmem>>, vector<16xi32>,
    }
    %scan3A_77 = arith.constant 632 : i32
    %scan3A_78 = arith.constant 0 : i32
    %scan3A_79 = arith.constant 0 : i32
    %scan3A_80 = arith.constant 79 : i32
    %scan3A_81 = arith.addi %scan3A_79, %scan3A_80 : i32
    %scan3A_82 = arith.constant 1 : i32
    scf.for %scan3A_108 = %scan3A_79 to %scan3A_81 step %scan3A_82  : i32 {
      %mul3A_109 = arith.constant 128 : i32
      %mul3A_110 = arith.muli %scan3A_108, %mul3A_109 : i32
      %dma_start3A = tpu.memref_slice %arg8[%mul3A_110] : memref<10112xi32, #tpu.memory_space<vmem>> -> memref<128xi32, #tpu.memory_space<vmem>>
      %dma_start3A_111 = arith.constant 0 : i32
      %dma_start3A_112 = arith.constant 0 : i32
      %dma_start3A_113 = tpu.memref_slice %arg2[%dma_start3A_111, %dma_start3A_112] : memref<60000x128xf32, #tpu.memory_space<hbm>> -> memref<60000x128xf32, #tpu.memory_space<hbm>>
      tpu.enqueue_indirect_dma source(%dma_start3A_113 : memref<60000x128xf32, #tpu.memory_space<hbm>>) target(%arg11 : memref<128x128xf32, #tpu.memory_space<vmem>>) offsets(%dma_start3A : memref<128xi32, #tpu.memory_space<vmem>>) semaphore(%arg16 : memref<!tpu.dma_semaphore, #tpu.memory_space<semaphore_mem>>)
      %dma_wait3A = tpu.memref_slice %arg8[%mul3A_110] : memref<10112xi32, #tpu.memory_space<vmem>> -> memref<128xi32, #tpu.memory_space<vmem>>
      %dma_wait3A_114 = arith.constant 0 : i32
      %dma_wait3A_115 = arith.constant 0 : i32
      %dma_wait3A_116 = tpu.memref_slice %arg2[%dma_wait3A_114, %dma_wait3A_115] : memref<60000x128xf32, #tpu.memory_space<hbm>> -> memref<60000x128xf32, #tpu.memory_space<hbm>>
      tpu.wait_indirect_dma semaphore(%arg16 : memref<!tpu.dma_semaphore, #tpu.memory_space<semaphore_mem>>) src(%dma_wait3A_116 : memref<60000x128xf32, #tpu.memory_space<hbm>>) dst(%arg11 : memref<128x128xf32, #tpu.memory_space<vmem>>)
      "tpu.region"() ({
        %run_scoped3A = tpu.sem_alloc : memref<!tpu.dma_semaphore, #tpu.memory_space<semaphore_mem>>
        %dma_start3A_117 = arith.constant 0 : i32
        %dma_start3A_118 = tpu.memref_slice %arg10[%scan3A_108, %dma_start3A_117] : memref<79x128xi32, #tpu.memory_space<vmem>> -> memref<1x128xi32, #tpu.memory_space<vmem>>
        %dma_start3A_119 = tpu.memref_squeeze %dma_start3A_118 : memref<1x128xi32, #tpu.memory_space<vmem>> -> memref<128xi32, #tpu.memory_space<vmem>>
        %dma_start3A_120 = arith.constant 0 : i32
        %dma_start3A_121 = arith.constant 0 : i32
        %dma_start3A_122 = tpu.memref_slice %arg14[%dma_start3A_120, %dma_start3A_121] : memref<10240x128xf32, #tpu.memory_space<vmem_shared>> -> memref<10240x128xf32, #tpu.memory_space<vmem_shared>>
        tpu.enqueue_indirect_dma source(%arg11 : memref<128x128xf32, #tpu.memory_space<vmem>>) target(%dma_start3A_122 : memref<10240x128xf32, #tpu.memory_space<vmem_shared>>) offsets(%dma_start3A_119 : memref<128xi32, #tpu.memory_space<vmem>>) semaphore(%run_scoped3A : memref<!tpu.dma_semaphore, #tpu.memory_space<semaphore_mem>>) {add = true}
        %dma_wait3A_123 = arith.constant 0 : i32
        %dma_wait3A_124 = tpu.memref_slice %arg10[%scan3A_108, %dma_wait3A_123] : memref<79x128xi32, #tpu.memory_space<vmem>> -> memref<1x128xi32, #tpu.memory_space<vmem>>
        %dma_wait3A_125 = tpu.memref_squeeze %dma_wait3A_124 : memref<1x128xi32, #tpu.memory_space<vmem>> -> memref<128xi32, #tpu.memory_space<vmem>>
        %dma_wait3A_126 = arith.constant 0 : i32
        %dma_wait3A_127 = arith.constant 0 : i32
        %dma_wait3A_128 = tpu.memref_slice %arg14[%dma_wait3A_126, %dma_wait3A_127] : memref<10240x128xf32, #tpu.memory_space<vmem_shared>> -> memref<10240x128xf32, #tpu.memory_space<vmem_shared>>
        tpu.wait_indirect_dma semaphore(%run_scoped3A : memref<!tpu.dma_semaphore, #tpu.memory_space<semaphore_mem>>) src(%arg11 : memref<128x128xf32, #tpu.memory_space<vmem>>) dst(%dma_wait3A_128 : memref<10240x128xf32, #tpu.memory_space<vmem_shared>>)
        tpu.yield
      }) : () -> ()
      "tpu.region"() ({
        %run_scoped3A = tpu.sem_alloc : memref<!tpu.dma_semaphore, #tpu.memory_space<semaphore_mem>>
        %dma_start3A_117 = arith.constant 0 : i32
        %dma_start3A_118 = tpu.memref_slice %arg10[%scan3A_108, %dma_start3A_117] : memref<79x128xi32, #tpu.memory_space<vmem>> -> memref<1x128xi32, #tpu.memory_space<vmem>>
        %dma_start3A_119 = tpu.memref_squeeze %dma_start3A_118 : memref<1x128xi32, #tpu.memory_space<vmem>> -> memref<128xi32, #tpu.memory_space<vmem>>
        %dma_start3A_120 = arith.constant 0 : i32
        %dma_start3A_121 = tpu.memref_slice %arg15[%dma_start3A_120] : memref<10240xf32, #tpu.memory_space<vmem_shared>> -> memref<10240xf32, #tpu.memory_space<vmem_shared>>
        tpu.enqueue_indirect_dma source(%arg12 : memref<128xf32, #tpu.memory_space<vmem>>) target(%dma_start3A_121 : memref<10240xf32, #tpu.memory_space<vmem_shared>>) offsets(%dma_start3A_119 : memref<128xi32, #tpu.memory_space<vmem>>) semaphore(%run_scoped3A : memref<!tpu.dma_semaphore, #tpu.memory_space<semaphore_mem>>) {add = true}
        %dma_wait3A_122 = arith.constant 0 : i32
        %dma_wait3A_123 = tpu.memref_slice %arg10[%scan3A_108, %dma_wait3A_122] : memref<79x128xi32, #tpu.memory_space<vmem>> -> memref<1x128xi32, #tpu.memory_space<vmem>>
        %dma_wait3A_124 = tpu.memref_squeeze %dma_wait3A_123 : memref<1x128xi32, #tpu.memory_space<vmem>> -> memref<128xi32, #tpu.memory_space<vmem>>
        %dma_wait3A_125 = arith.constant 0 : i32
        %dma_wait3A_126 = tpu.memref_slice %arg15[%dma_wait3A_125] : memref<10240xf32, #tpu.memory_space<vmem_shared>> -> memref<10240xf32, #tpu.memory_space<vmem_shared>>
        tpu.wait_indirect_dma semaphore(%run_scoped3A : memref<!tpu.dma_semaphore, #tpu.memory_space<semaphore_mem>>) src(%arg12 : memref<128xf32, #tpu.memory_space<vmem>>) dst(%dma_wait3A_126 : memref<10240xf32, #tpu.memory_space<vmem_shared>>)
        tpu.yield
      }) : () -> ()
    }
    %scan3A_83 = arith.constant 79 : i32
    %barrier3A_84 = arith.constant 0 : index
    tpu.barrier barrier_id(%barrier3A_84)
    %mul3A_85 = arith.constant 10240 : i32
    %mul3A_86 = arith.muli %arg0, %mul3A_85 : i32
    %add3A_87 = arith.addi %mul3A_86, %mul3A_2 : i32
    %add3A_88 = arith.constant 0 : i32
    %add3A_89 = arith.addi %mul3A_2, %add3A_88 : i32
    "tpu.region"() ({
      %run_scoped3A = tpu.sem_alloc : memref<!tpu.dma_semaphore, #tpu.memory_space<semaphore_mem>>
      %dma_start3A = arith.constant 0 : i32
      %dma_start3A_108 = tpu.memref_slice %arg14[%add3A_89, %dma_start3A] : memref<10240x128xf32, #tpu.memory_space<vmem_shared>> -> memref<128x128xf32, #tpu.memory_space<vmem_shared>>
      %dma_start3A_109 = arith.constant 0 : i32
      %dma_start3A_110 = tpu.memref_slice %arg14[%add3A_89, %dma_start3A_109] : memref<10240x128xf32, #tpu.memory_space<vmem_shared>> -> memref<128x128xf32, #tpu.memory_space<vmem_shared>>
      tpu.enqueue_dma source(%dma_start3A_110 : memref<128x128xf32, #tpu.memory_space<vmem_shared>>) target(%arg11 : memref<128x128xf32, #tpu.memory_space<vmem>>) target_semaphore(%run_scoped3A : memref<!tpu.dma_semaphore, #tpu.memory_space<semaphore_mem>>)
      %dma_wait3A = arith.constant 0 : i32
      %dma_wait3A_111 = tpu.memref_slice %arg14[%add3A_89, %dma_wait3A] : memref<10240x128xf32, #tpu.memory_space<vmem_shared>> -> memref<128x128xf32, #tpu.memory_space<vmem_shared>>
      %dma_wait3A_112 = arith.constant 0 : i32
      %dma_wait3A_113 = tpu.memref_slice %arg14[%add3A_89, %dma_wait3A_112] : memref<10240x128xf32, #tpu.memory_space<vmem_shared>> -> memref<128x128xf32, #tpu.memory_space<vmem_shared>>
      tpu.wait_dma2 semaphore(%run_scoped3A : memref<!tpu.dma_semaphore, #tpu.memory_space<semaphore_mem>>) src(%dma_wait3A_113 : memref<128x128xf32, #tpu.memory_space<vmem_shared>>) dst(%arg11 : memref<128x128xf32, #tpu.memory_space<vmem>>)
      tpu.yield
    }) : () -> ()
    %add3A_90 = arith.constant 0 : i32
    %add3A_91 = arith.addi %add3A_87, %add3A_90 : i32
    "tpu.region"() ({
      %run_scoped3A = tpu.sem_alloc : memref<!tpu.dma_semaphore, #tpu.memory_space<semaphore_mem>>
      %dma_start3A = arith.constant 0 : i32
      %dma_start3A_108 = tpu.memref_slice %arg6[%add3A_91, %dma_start3A] : memref<20480x128xf32, #tpu.memory_space<hbm>> -> memref<128x128xf32, #tpu.memory_space<hbm>>
      %dma_start3A_109 = arith.constant 0 : i32
      %dma_start3A_110 = tpu.memref_slice %arg6[%add3A_91, %dma_start3A_109] : memref<20480x128xf32, #tpu.memory_space<hbm>> -> memref<128x128xf32, #tpu.memory_space<hbm>>
      tpu.enqueue_dma source(%arg11 : memref<128x128xf32, #tpu.memory_space<vmem>>) target(%dma_start3A_110 : memref<128x128xf32, #tpu.memory_space<hbm>>) target_semaphore(%run_scoped3A : memref<!tpu.dma_semaphore, #tpu.memory_space<semaphore_mem>>)
      %dma_wait3A = arith.constant 0 : i32
      %dma_wait3A_111 = tpu.memref_slice %arg6[%add3A_91, %dma_wait3A] : memref<20480x128xf32, #tpu.memory_space<hbm>> -> memref<128x128xf32, #tpu.memory_space<hbm>>
      %dma_wait3A_112 = arith.constant 0 : i32
      %dma_wait3A_113 = tpu.memref_slice %arg6[%add3A_91, %dma_wait3A_112] : memref<20480x128xf32, #tpu.memory_space<hbm>> -> memref<128x128xf32, #tpu.memory_space<hbm>>
      tpu.wait_dma2 semaphore(%run_scoped3A : memref<!tpu.dma_semaphore, #tpu.memory_space<semaphore_mem>>) src(%arg11 : memref<128x128xf32, #tpu.memory_space<vmem>>) dst(%dma_wait3A_113 : memref<128x128xf32, #tpu.memory_space<hbm>>)
      tpu.yield
    }) : () -> ()
    %add3A_92 = arith.constant 128 : i32
    %add3A_93 = arith.addi %mul3A_2, %add3A_92 : i32
    "tpu.region"() ({
      %run_scoped3A = tpu.sem_alloc : memref<!tpu.dma_semaphore, #tpu.memory_space<semaphore_mem>>
      %dma_start3A = arith.constant 0 : i32
      %dma_start3A_108 = tpu.memref_slice %arg14[%add3A_93, %dma_start3A] : memref<10240x128xf32, #tpu.memory_space<vmem_shared>> -> memref<128x128xf32, #tpu.memory_space<vmem_shared>>
      %dma_start3A_109 = arith.constant 0 : i32
      %dma_start3A_110 = tpu.memref_slice %arg14[%add3A_93, %dma_start3A_109] : memref<10240x128xf32, #tpu.memory_space<vmem_shared>> -> memref<128x128xf32, #tpu.memory_space<vmem_shared>>
      tpu.enqueue_dma source(%dma_start3A_110 : memref<128x128xf32, #tpu.memory_space<vmem_shared>>) target(%arg11 : memref<128x128xf32, #tpu.memory_space<vmem>>) target_semaphore(%run_scoped3A : memref<!tpu.dma_semaphore, #tpu.memory_space<semaphore_mem>>)
      %dma_wait3A = arith.constant 0 : i32
      %dma_wait3A_111 = tpu.memref_slice %arg14[%add3A_93, %dma_wait3A] : memref<10240x128xf32, #tpu.memory_space<vmem_shared>> -> memref<128x128xf32, #tpu.memory_space<vmem_shared>>
      %dma_wait3A_112 = arith.constant 0 : i32
      %dma_wait3A_113 = tpu.memref_slice %arg14[%add3A_93, %dma_wait3A_112] : memref<10240x128xf32, #tpu.memory_space<vmem_shared>> -> memref<128x128xf32, #tpu.memory_space<vmem_shared>>
      tpu.wait_dma2 semaphore(%run_scoped3A : memref<!tpu.dma_semaphore, #tpu.memory_space<semaphore_mem>>) src(%dma_wait3A_113 : memref<128x128xf32, #tpu.memory_space<vmem_shared>>) dst(%arg11 : memref<128x128xf32, #tpu.memory_space<vmem>>)
      tpu.yield
    }) : () -> ()
    %add3A_94 = arith.constant 128 : i32
    %add3A_95 = arith.addi %add3A_87, %add3A_94 : i32
    "tpu.region"() ({
      %run_scoped3A = tpu.sem_alloc : memref<!tpu.dma_semaphore, #tpu.memory_space<semaphore_mem>>
      %dma_start3A = arith.constant 0 : i32
      %dma_start3A_108 = tpu.memref_slice %arg6[%add3A_95, %dma_start3A] : memref<20480x128xf32, #tpu.memory_space<hbm>> -> memref<128x128xf32, #tpu.memory_space<hbm>>
      %dma_start3A_109 = arith.constant 0 : i32
      %dma_start3A_110 = tpu.memref_slice %arg6[%add3A_95, %dma_start3A_109] : memref<20480x128xf32, #tpu.memory_space<hbm>> -> memref<128x128xf32, #tpu.memory_space<hbm>>
      tpu.enqueue_dma source(%arg11 : memref<128x128xf32, #tpu.memory_space<vmem>>) target(%dma_start3A_110 : memref<128x128xf32, #tpu.memory_space<hbm>>) target_semaphore(%run_scoped3A : memref<!tpu.dma_semaphore, #tpu.memory_space<semaphore_mem>>)
      %dma_wait3A = arith.constant 0 : i32
      %dma_wait3A_111 = tpu.memref_slice %arg6[%add3A_95, %dma_wait3A] : memref<20480x128xf32, #tpu.memory_space<hbm>> -> memref<128x128xf32, #tpu.memory_space<hbm>>
      %dma_wait3A_112 = arith.constant 0 : i32
      %dma_wait3A_113 = tpu.memref_slice %arg6[%add3A_95, %dma_wait3A_112] : memref<20480x128xf32, #tpu.memory_space<hbm>> -> memref<128x128xf32, #tpu.memory_space<hbm>>
      tpu.wait_dma2 semaphore(%run_scoped3A : memref<!tpu.dma_semaphore, #tpu.memory_space<semaphore_mem>>) src(%arg11 : memref<128x128xf32, #tpu.memory_space<vmem>>) dst(%dma_wait3A_113 : memref<128x128xf32, #tpu.memory_space<hbm>>)
      tpu.yield
    }) : () -> ()
    %add3A_96 = arith.constant 256 : i32
    %add3A_97 = arith.addi %mul3A_2, %add3A_96 : i32
    "tpu.region"() ({
      %run_scoped3A = tpu.sem_alloc : memref<!tpu.dma_semaphore, #tpu.memory_space<semaphore_mem>>
      %dma_start3A = arith.constant 0 : i32
      %dma_start3A_108 = tpu.memref_slice %arg14[%add3A_97, %dma_start3A] : memref<10240x128xf32, #tpu.memory_space<vmem_shared>> -> memref<128x128xf32, #tpu.memory_space<vmem_shared>>
      %dma_start3A_109 = arith.constant 0 : i32
      %dma_start3A_110 = tpu.memref_slice %arg14[%add3A_97, %dma_start3A_109] : memref<10240x128xf32, #tpu.memory_space<vmem_shared>> -> memref<128x128xf32, #tpu.memory_space<vmem_shared>>
      tpu.enqueue_dma source(%dma_start3A_110 : memref<128x128xf32, #tpu.memory_space<vmem_shared>>) target(%arg11 : memref<128x128xf32, #tpu.memory_space<vmem>>) target_semaphore(%run_scoped3A : memref<!tpu.dma_semaphore, #tpu.memory_space<semaphore_mem>>)
      %dma_wait3A = arith.constant 0 : i32
      %dma_wait3A_111 = tpu.memref_slice %arg14[%add3A_97, %dma_wait3A] : memref<10240x128xf32, #tpu.memory_space<vmem_shared>> -> memref<128x128xf32, #tpu.memory_space<vmem_shared>>
      %dma_wait3A_112 = arith.constant 0 : i32
      %dma_wait3A_113 = tpu.memref_slice %arg14[%add3A_97, %dma_wait3A_112] : memref<10240x128xf32, #tpu.memory_space<vmem_shared>> -> memref<128x128xf32, #tpu.memory_space<vmem_shared>>
      tpu.wait_dma2 semaphore(%run_scoped3A : memref<!tpu.dma_semaphore, #tpu.memory_space<semaphore_mem>>) src(%dma_wait3A_113 : memref<128x128xf32, #tpu.memory_space<vmem_shared>>) dst(%arg11 : memref<128x128xf32, #tpu.memory_space<vmem>>)
      tpu.yield
    }) : () -> ()
    %add3A_98 = arith.constant 256 : i32
    %add3A_99 = arith.addi %add3A_87, %add3A_98 : i32
    "tpu.region"() ({
      %run_scoped3A = tpu.sem_alloc : memref<!tpu.dma_semaphore, #tpu.memory_space<semaphore_mem>>
      %dma_start3A = arith.constant 0 : i32
      %dma_start3A_108 = tpu.memref_slice %arg6[%add3A_99, %dma_start3A] : memref<20480x128xf32, #tpu.memory_space<hbm>> -> memref<128x128xf32, #tpu.memory_space<hbm>>
      %dma_start3A_109 = arith.constant 0 : i32
      %dma_start3A_110 = tpu.memref_slice %arg6[%add3A_99, %dma_start3A_109] : memref<20480x128xf32, #tpu.memory_space<hbm>> -> memref<128x128xf32, #tpu.memory_space<hbm>>
      tpu.enqueue_dma source(%arg11 : memref<128x128xf32, #tpu.memory_space<vmem>>) target(%dma_start3A_110 : memref<128x128xf32, #tpu.memory_space<hbm>>) target_semaphore(%run_scoped3A : memref<!tpu.dma_semaphore, #tpu.memory_space<semaphore_mem>>)
      %dma_wait3A = arith.constant 0 : i32
      %dma_wait3A_111 = tpu.memref_slice %arg6[%add3A_99, %dma_wait3A] : memref<20480x128xf32, #tpu.memory_space<hbm>> -> memref<128x128xf32, #tpu.memory_space<hbm>>
      %dma_wait3A_112 = arith.constant 0 : i32
      %dma_wait3A_113 = tpu.memref_slice %arg6[%add3A_99, %dma_wait3A_112] : memref<20480x128xf32, #tpu.memory_space<hbm>> -> memref<128x128xf32, #tpu.memory_space<hbm>>
      tpu.wait_dma2 semaphore(%run_scoped3A : memref<!tpu.dma_semaphore, #tpu.memory_space<semaphore_mem>>) src(%arg11 : memref<128x128xf32, #tpu.memory_space<vmem>>) dst(%dma_wait3A_113 : memref<128x128xf32, #tpu.memory_space<hbm>>)
      tpu.yield
    }) : () -> ()
    %add3A_100 = arith.constant 384 : i32
    %add3A_101 = arith.addi %mul3A_2, %add3A_100 : i32
    "tpu.region"() ({
      %run_scoped3A = tpu.sem_alloc : memref<!tpu.dma_semaphore, #tpu.memory_space<semaphore_mem>>
      %dma_start3A = arith.constant 0 : i32
      %dma_start3A_108 = tpu.memref_slice %arg14[%add3A_101, %dma_start3A] : memref<10240x128xf32, #tpu.memory_space<vmem_shared>> -> memref<128x128xf32, #tpu.memory_space<vmem_shared>>
      %dma_start3A_109 = arith.constant 0 : i32
      %dma_start3A_110 = tpu.memref_slice %arg14[%add3A_101, %dma_start3A_109] : memref<10240x128xf32, #tpu.memory_space<vmem_shared>> -> memref<128x128xf32, #tpu.memory_space<vmem_shared>>
      tpu.enqueue_dma source(%dma_start3A_110 : memref<128x128xf32, #tpu.memory_space<vmem_shared>>) target(%arg11 : memref<128x128xf32, #tpu.memory_space<vmem>>) target_semaphore(%run_scoped3A : memref<!tpu.dma_semaphore, #tpu.memory_space<semaphore_mem>>)
      %dma_wait3A = arith.constant 0 : i32
      %dma_wait3A_111 = tpu.memref_slice %arg14[%add3A_101, %dma_wait3A] : memref<10240x128xf32, #tpu.memory_space<vmem_shared>> -> memref<128x128xf32, #tpu.memory_space<vmem_shared>>
      %dma_wait3A_112 = arith.constant 0 : i32
      %dma_wait3A_113 = tpu.memref_slice %arg14[%add3A_101, %dma_wait3A_112] : memref<10240x128xf32, #tpu.memory_space<vmem_shared>> -> memref<128x128xf32, #tpu.memory_space<vmem_shared>>
      tpu.wait_dma2 semaphore(%run_scoped3A : memref<!tpu.dma_semaphore, #tpu.memory_space<semaphore_mem>>) src(%dma_wait3A_113 : memref<128x128xf32, #tpu.memory_space<vmem_shared>>) dst(%arg11 : memref<128x128xf32, #tpu.memory_space<vmem>>)
      tpu.yield
    }) : () -> ()
    %add3A_102 = arith.constant 384 : i32
    %add3A_103 = arith.addi %add3A_87, %add3A_102 : i32
    "tpu.region"() ({
      %run_scoped3A = tpu.sem_alloc : memref<!tpu.dma_semaphore, #tpu.memory_space<semaphore_mem>>
      %dma_start3A = arith.constant 0 : i32
      %dma_start3A_108 = tpu.memref_slice %arg6[%add3A_103, %dma_start3A] : memref<20480x128xf32, #tpu.memory_space<hbm>> -> memref<128x128xf32, #tpu.memory_space<hbm>>
      %dma_start3A_109 = arith.constant 0 : i32
      %dma_start3A_110 = tpu.memref_slice %arg6[%add3A_103, %dma_start3A_109] : memref<20480x128xf32, #tpu.memory_space<hbm>> -> memref<128x128xf32, #tpu.memory_space<hbm>>
      tpu.enqueue_dma source(%arg11 : memref<128x128xf32, #tpu.memory_space<vmem>>) target(%dma_start3A_110 : memref<128x128xf32, #tpu.memory_space<hbm>>) target_semaphore(%run_scoped3A : memref<!tpu.dma_semaphore, #tpu.memory_space<semaphore_mem>>)
      %dma_wait3A = arith.constant 0 : i32
      %dma_wait3A_111 = tpu.memref_slice %arg6[%add3A_103, %dma_wait3A] : memref<20480x128xf32, #tpu.memory_space<hbm>> -> memref<128x128xf32, #tpu.memory_space<hbm>>
      %dma_wait3A_112 = arith.constant 0 : i32
      %dma_wait3A_113 = tpu.memref_slice %arg6[%add3A_103, %dma_wait3A_112] : memref<20480x128xf32, #tpu.memory_space<hbm>> -> memref<128x128xf32, #tpu.memory_space<hbm>>
      tpu.wait_dma2 semaphore(%run_scoped3A : memref<!tpu.dma_semaphore, #tpu.memory_space<semaphore_mem>>) src(%arg11 : memref<128x128xf32, #tpu.memory_space<vmem>>) dst(%dma_wait3A_113 : memref<128x128xf32, #tpu.memory_space<hbm>>)
      tpu.yield
    }) : () -> ()
    %add3A_104 = arith.constant 512 : i32
    %add3A_105 = arith.addi %mul3A_2, %add3A_104 : i32
    "tpu.region"() ({
      %run_scoped3A = tpu.sem_alloc : memref<!tpu.dma_semaphore, #tpu.memory_space<semaphore_mem>>
      %dma_start3A = arith.constant 0 : i32
      %dma_start3A_108 = tpu.memref_slice %arg14[%add3A_105, %dma_start3A] : memref<10240x128xf32, #tpu.memory_space<vmem_shared>> -> memref<128x128xf32, #tpu.memory_space<vmem_shared>>
      %dma_start3A_109 = arith.constant 0 : i32
      %dma_start3A_110 = tpu.memref_slice %arg14[%add3A_105, %dma_start3A_109] : memref<10240x128xf32, #tpu.memory_space<vmem_shared>> -> memref<128x128xf32, #tpu.memory_space<vmem_shared>>
      tpu.enqueue_dma source(%dma_start3A_110 : memref<128x128xf32, #tpu.memory_space<vmem_shared>>) target(%arg11 : memref<128x128xf32, #tpu.memory_space<vmem>>) target_semaphore(%run_scoped3A : memref<!tpu.dma_semaphore, #tpu.memory_space<semaphore_mem>>)
      %dma_wait3A = arith.constant 0 : i32
      %dma_wait3A_111 = tpu.memref_slice %arg14[%add3A_105, %dma_wait3A] : memref<10240x128xf32, #tpu.memory_space<vmem_shared>> -> memref<128x128xf32, #tpu.memory_space<vmem_shared>>
      %dma_wait3A_112 = arith.constant 0 : i32
      %dma_wait3A_113 = tpu.memref_slice %arg14[%add3A_105, %dma_wait3A_112] : memref<10240x128xf32, #tpu.memory_space<vmem_shared>> -> memref<128x128xf32, #tpu.memory_space<vmem_shared>>
      tpu.wait_dma2 semaphore(%run_scoped3A : memref<!tpu.dma_semaphore, #tpu.memory_space<semaphore_mem>>) src(%dma_wait3A_113 : memref<128x128xf32, #tpu.memory_space<vmem_shared>>) dst(%arg11 : memref<128x128xf32, #tpu.memory_space<vmem>>)
      tpu.yield
    }) : () -> ()
    %add3A_106 = arith.constant 512 : i32
    %add3A_107 = arith.addi %add3A_87, %add3A_106 : i32
    "tpu.region"() ({
      %run_scoped3A = tpu.sem_alloc : memref<!tpu.dma_semaphore, #tpu.memory_space<semaphore_mem>>
      %dma_start3A = arith.constant 0 : i32
      %dma_start3A_108 = tpu.memref_slice %arg6[%add3A_107, %dma_start3A] : memref<20480x128xf32, #tpu.memory_space<hbm>> -> memref<128x128xf32, #tpu.memory_space<hbm>>
      %dma_start3A_109 = arith.constant 0 : i32
      %dma_start3A_110 = tpu.memref_slice %arg6[%add3A_107, %dma_start3A_109] : memref<20480x128xf32, #tpu.memory_space<hbm>> -> memref<128x128xf32, #tpu.memory_space<hbm>>
      tpu.enqueue_dma source(%arg11 : memref<128x128xf32, #tpu.memory_space<vmem>>) target(%dma_start3A_110 : memref<128x128xf32, #tpu.memory_space<hbm>>) target_semaphore(%run_scoped3A : memref<!tpu.dma_semaphore, #tpu.memory_space<semaphore_mem>>)
      %dma_wait3A = arith.constant 0 : i32
      %dma_wait3A_111 = tpu.memref_slice %arg6[%add3A_107, %dma_wait3A] : memref<20480x128xf32, #tpu.memory_space<hbm>> -> memref<128x128xf32, #tpu.memory_space<hbm>>
      %dma_wait3A_112 = arith.constant 0 : i32
      %dma_wait3A_113 = tpu.memref_slice %arg6[%add3A_107, %dma_wait3A_112] : memref<20480x128xf32, #tpu.memory_space<hbm>> -> memref<128x128xf32, #tpu.memory_space<hbm>>
      tpu.wait_dma2 semaphore(%run_scoped3A : memref<!tpu.dma_semaphore, #tpu.memory_space<semaphore_mem>>) src(%arg11 : memref<128x128xf32, #tpu.memory_space<vmem>>) dst(%dma_wait3A_113 : memref<128x128xf32, #tpu.memory_space<hbm>>)
      tpu.yield
    }) : () -> ()
    "tpu.region"() ({
      %run_scoped3A = tpu.sem_alloc : memref<!tpu.dma_semaphore, #tpu.memory_space<semaphore_mem>>
      %dma_start3A = tpu.memref_slice %arg15[%mul3A_2] : memref<10240xf32, #tpu.memory_space<vmem_shared>> -> memref<640xf32, #tpu.memory_space<vmem_shared>>
      %dma_start3A_108 = tpu.memref_slice %arg15[%mul3A_2] : memref<10240xf32, #tpu.memory_space<vmem_shared>> -> memref<640xf32, #tpu.memory_space<vmem_shared>>
      tpu.enqueue_dma source(%dma_start3A_108 : memref<640xf32, #tpu.memory_space<vmem_shared>>) target(%arg13 : memref<640xf32, #tpu.memory_space<vmem>>) target_semaphore(%run_scoped3A : memref<!tpu.dma_semaphore, #tpu.memory_space<semaphore_mem>>)
      %dma_wait3A = tpu.memref_slice %arg15[%mul3A_2] : memref<10240xf32, #tpu.memory_space<vmem_shared>> -> memref<640xf32, #tpu.memory_space<vmem_shared>>
      %dma_wait3A_109 = tpu.memref_slice %arg15[%mul3A_2] : memref<10240xf32, #tpu.memory_space<vmem_shared>> -> memref<640xf32, #tpu.memory_space<vmem_shared>>
      tpu.wait_dma2 semaphore(%run_scoped3A : memref<!tpu.dma_semaphore, #tpu.memory_space<semaphore_mem>>) src(%dma_wait3A_109 : memref<640xf32, #tpu.memory_space<vmem_shared>>) dst(%arg13 : memref<640xf32, #tpu.memory_space<vmem>>)
      tpu.yield
    }) : () -> ()
    "tpu.region"() ({
      %run_scoped3A = tpu.sem_alloc : memref<!tpu.dma_semaphore, #tpu.memory_space<semaphore_mem>>
      %dma_start3A = tpu.memref_slice %arg7[%add3A_87] : memref<20480xf32, #tpu.memory_space<hbm>> -> memref<640xf32, #tpu.memory_space<hbm>>
      %dma_start3A_108 = tpu.memref_slice %arg7[%add3A_87] : memref<20480xf32, #tpu.memory_space<hbm>> -> memref<640xf32, #tpu.memory_space<hbm>>
      tpu.enqueue_dma source(%arg13 : memref<640xf32, #tpu.memory_space<vmem>>) target(%dma_start3A_108 : memref<640xf32, #tpu.memory_space<hbm>>) target_semaphore(%run_scoped3A : memref<!tpu.dma_semaphore, #tpu.memory_space<semaphore_mem>>)
      %dma_wait3A = tpu.memref_slice %arg7[%add3A_87] : memref<20480xf32, #tpu.memory_space<hbm>> -> memref<640xf32, #tpu.memory_space<hbm>>
      %dma_wait3A_109 = tpu.memref_slice %arg7[%add3A_87] : memref<20480xf32, #tpu.memory_space<hbm>> -> memref<640xf32, #tpu.memory_space<hbm>>
      tpu.wait_dma2 semaphore(%run_scoped3A : memref<!tpu.dma_semaphore, #tpu.memory_space<semaphore_mem>>) src(%arg13 : memref<640xf32, #tpu.memory_space<vmem>>) dst(%dma_wait3A_109 : memref<640xf32, #tpu.memory_space<hbm>>)
      tpu.yield
    }) : () -> ()
    return
  }
}

module attributes {stable_mosaic.version = 14 : i64} {
  func.func @body(%arg0: i32, %arg1: memref<6x4xf32, #tpu.memory_space<smem>>, %arg2: memref<4x400x128xf32, #tpu.memory_space<vmem>>, %arg3: memref<6x400x128xf32, #tpu.memory_space<vmem>>) attributes {dimension_semantics = [#tpu.dimension_semantics<arbitrary>], iteration_bounds = array<i64: 25>, scalar_prefetch = 0 : i64, scratch_operands = 0 : i64, tpu.core_type = #tpu.core_type<tc>, window_params = [{transform_indices = @transform_0, window_bounds = array<i64: 6, 4>}, {transform_indices = @transform_1, window_bounds = array<i64: 4, 400, 128>}, {transform_indices = @transform_2, window_bounds = array<i64: 6, 400, 128>}]} {
    %get3A = arith.constant 0 : index
    %get3A_0 = arith.constant 0 : index
    %get3A_1 = memref.load %arg1[%get3A, %get3A_0] : memref<6x4xf32, #tpu.memory_space<smem>>
    %get3A_2 = arith.constant 0 : index
    %get3A_3 = arith.constant 0 : index
    %get3A_4 = arith.constant 0 : index
    %get3A_5 = vector.load %arg2[%get3A_2, %get3A_3, %get3A_4] : memref<4x400x128xf32, #tpu.memory_space<vmem>>, vector<1x400x128xf32>
    %get3A_6 = vector.shape_cast %get3A_5 : vector<1x400x128xf32> to vector<400x128xf32>
    %mul3A = vector.broadcast %get3A_1 : f32 to vector<400x128xf32>
    %mul3A_7 = arith.mulf %mul3A, %get3A_6 : vector<400x128xf32>
    %get3A_8 = arith.constant 0 : index
    %get3A_9 = arith.constant 1 : index
    %get3A_10 = memref.load %arg1[%get3A_8, %get3A_9] : memref<6x4xf32, #tpu.memory_space<smem>>
    %get3A_11 = arith.constant 1 : index
    %get3A_12 = arith.constant 0 : index
    %get3A_13 = arith.constant 0 : index
    %get3A_14 = vector.load %arg2[%get3A_11, %get3A_12, %get3A_13] : memref<4x400x128xf32, #tpu.memory_space<vmem>>, vector<1x400x128xf32>
    %get3A_15 = vector.shape_cast %get3A_14 : vector<1x400x128xf32> to vector<400x128xf32>
    %mul3A_16 = vector.broadcast %get3A_10 : f32 to vector<400x128xf32>
    %mul3A_17 = arith.mulf %mul3A_16, %get3A_15 : vector<400x128xf32>
    %add3A = arith.addf %mul3A_7, %mul3A_17 : vector<400x128xf32>
    %get3A_18 = arith.constant 0 : index
    %get3A_19 = arith.constant 2 : index
    %get3A_20 = memref.load %arg1[%get3A_18, %get3A_19] : memref<6x4xf32, #tpu.memory_space<smem>>
    %get3A_21 = arith.constant 2 : index
    %get3A_22 = arith.constant 0 : index
    %get3A_23 = arith.constant 0 : index
    %get3A_24 = vector.load %arg2[%get3A_21, %get3A_22, %get3A_23] : memref<4x400x128xf32, #tpu.memory_space<vmem>>, vector<1x400x128xf32>
    %get3A_25 = vector.shape_cast %get3A_24 : vector<1x400x128xf32> to vector<400x128xf32>
    %mul3A_26 = vector.broadcast %get3A_20 : f32 to vector<400x128xf32>
    %mul3A_27 = arith.mulf %mul3A_26, %get3A_25 : vector<400x128xf32>
    %add3A_28 = arith.addf %add3A, %mul3A_27 : vector<400x128xf32>
    %get3A_29 = arith.constant 0 : index
    %get3A_30 = arith.constant 3 : index
    %get3A_31 = memref.load %arg1[%get3A_29, %get3A_30] : memref<6x4xf32, #tpu.memory_space<smem>>
    %get3A_32 = arith.constant 3 : index
    %get3A_33 = arith.constant 0 : index
    %get3A_34 = arith.constant 0 : index
    %get3A_35 = vector.load %arg2[%get3A_32, %get3A_33, %get3A_34] : memref<4x400x128xf32, #tpu.memory_space<vmem>>, vector<1x400x128xf32>
    %get3A_36 = vector.shape_cast %get3A_35 : vector<1x400x128xf32> to vector<400x128xf32>
    %mul3A_37 = vector.broadcast %get3A_31 : f32 to vector<400x128xf32>
    %mul3A_38 = arith.mulf %mul3A_37, %get3A_36 : vector<400x128xf32>
    %add3A_39 = arith.addf %add3A_28, %mul3A_38 : vector<400x128xf32>
    %swap3A = arith.constant 0 : index
    %swap3A_40 = arith.constant 0 : index
    %swap3A_41 = arith.constant 0 : index
    %swap3A_42 = vector.load %arg3[%swap3A, %swap3A_40, %swap3A_41] : memref<6x400x128xf32, #tpu.memory_space<vmem>>, vector<1x400x128xf32>
    %swap3A_43 = vector.shape_cast %swap3A_42 : vector<1x400x128xf32> to vector<400x128xf32>
    %swap3A_44 = vector.shape_cast %add3A_39 : vector<400x128xf32> to vector<1x400x128xf32>
    tpu.vector_store %arg3[%swap3A, %swap3A_40, %swap3A_41], %swap3A_44 {strides = array<i32>} : memref<6x400x128xf32, #tpu.memory_space<vmem>>, vector<1x400x128xf32>,
    %get3A_45 = arith.constant 1 : index
    %get3A_46 = arith.constant 0 : index
    %get3A_47 = memref.load %arg1[%get3A_45, %get3A_46] : memref<6x4xf32, #tpu.memory_space<smem>>
    %get3A_48 = arith.constant 0 : index
    %get3A_49 = arith.constant 0 : index
    %get3A_50 = arith.constant 0 : index
    %get3A_51 = vector.load %arg2[%get3A_48, %get3A_49, %get3A_50] : memref<4x400x128xf32, #tpu.memory_space<vmem>>, vector<1x400x128xf32>
    %get3A_52 = vector.shape_cast %get3A_51 : vector<1x400x128xf32> to vector<400x128xf32>
    %mul3A_53 = vector.broadcast %get3A_47 : f32 to vector<400x128xf32>
    %mul3A_54 = arith.mulf %mul3A_53, %get3A_52 : vector<400x128xf32>
    %get3A_55 = arith.constant 1 : index
    %get3A_56 = arith.constant 1 : index
    %get3A_57 = memref.load %arg1[%get3A_55, %get3A_56] : memref<6x4xf32, #tpu.memory_space<smem>>
    %get3A_58 = arith.constant 1 : index
    %get3A_59 = arith.constant 0 : index
    %get3A_60 = arith.constant 0 : index
    %get3A_61 = vector.load %arg2[%get3A_58, %get3A_59, %get3A_60] : memref<4x400x128xf32, #tpu.memory_space<vmem>>, vector<1x400x128xf32>
    %get3A_62 = vector.shape_cast %get3A_61 : vector<1x400x128xf32> to vector<400x128xf32>
    %mul3A_63 = vector.broadcast %get3A_57 : f32 to vector<400x128xf32>
    %mul3A_64 = arith.mulf %mul3A_63, %get3A_62 : vector<400x128xf32>
    %add3A_65 = arith.addf %mul3A_54, %mul3A_64 : vector<400x128xf32>
    %get3A_66 = arith.constant 1 : index
    %get3A_67 = arith.constant 2 : index
    %get3A_68 = memref.load %arg1[%get3A_66, %get3A_67] : memref<6x4xf32, #tpu.memory_space<smem>>
    %get3A_69 = arith.constant 2 : index
    %get3A_70 = arith.constant 0 : index
    %get3A_71 = arith.constant 0 : index
    %get3A_72 = vector.load %arg2[%get3A_69, %get3A_70, %get3A_71] : memref<4x400x128xf32, #tpu.memory_space<vmem>>, vector<1x400x128xf32>
    %get3A_73 = vector.shape_cast %get3A_72 : vector<1x400x128xf32> to vector<400x128xf32>
    %mul3A_74 = vector.broadcast %get3A_68 : f32 to vector<400x128xf32>
    %mul3A_75 = arith.mulf %mul3A_74, %get3A_73 : vector<400x128xf32>
    %add3A_76 = arith.addf %add3A_65, %mul3A_75 : vector<400x128xf32>
    %get3A_77 = arith.constant 1 : index
    %get3A_78 = arith.constant 3 : index
    %get3A_79 = memref.load %arg1[%get3A_77, %get3A_78] : memref<6x4xf32, #tpu.memory_space<smem>>
    %get3A_80 = arith.constant 3 : index
    %get3A_81 = arith.constant 0 : index
    %get3A_82 = arith.constant 0 : index
    %get3A_83 = vector.load %arg2[%get3A_80, %get3A_81, %get3A_82] : memref<4x400x128xf32, #tpu.memory_space<vmem>>, vector<1x400x128xf32>
    %get3A_84 = vector.shape_cast %get3A_83 : vector<1x400x128xf32> to vector<400x128xf32>
    %mul3A_85 = vector.broadcast %get3A_79 : f32 to vector<400x128xf32>
    %mul3A_86 = arith.mulf %mul3A_85, %get3A_84 : vector<400x128xf32>
    %add3A_87 = arith.addf %add3A_76, %mul3A_86 : vector<400x128xf32>
    %swap3A_88 = arith.constant 1 : index
    %swap3A_89 = arith.constant 0 : index
    %swap3A_90 = arith.constant 0 : index
    %swap3A_91 = vector.load %arg3[%swap3A_88, %swap3A_89, %swap3A_90] : memref<6x400x128xf32, #tpu.memory_space<vmem>>, vector<1x400x128xf32>
    %swap3A_92 = vector.shape_cast %swap3A_91 : vector<1x400x128xf32> to vector<400x128xf32>
    %swap3A_93 = vector.shape_cast %add3A_87 : vector<400x128xf32> to vector<1x400x128xf32>
    tpu.vector_store %arg3[%swap3A_88, %swap3A_89, %swap3A_90], %swap3A_93 {strides = array<i32>} : memref<6x400x128xf32, #tpu.memory_space<vmem>>, vector<1x400x128xf32>,
    %get3A_94 = arith.constant 2 : index
    %get3A_95 = arith.constant 0 : index
    %get3A_96 = memref.load %arg1[%get3A_94, %get3A_95] : memref<6x4xf32, #tpu.memory_space<smem>>
    %get3A_97 = arith.constant 0 : index
    %get3A_98 = arith.constant 0 : index
    %get3A_99 = arith.constant 0 : index
    %get3A_100 = vector.load %arg2[%get3A_97, %get3A_98, %get3A_99] : memref<4x400x128xf32, #tpu.memory_space<vmem>>, vector<1x400x128xf32>
    %get3A_101 = vector.shape_cast %get3A_100 : vector<1x400x128xf32> to vector<400x128xf32>
    %mul3A_102 = vector.broadcast %get3A_96 : f32 to vector<400x128xf32>
    %mul3A_103 = arith.mulf %mul3A_102, %get3A_101 : vector<400x128xf32>
    %get3A_104 = arith.constant 2 : index
    %get3A_105 = arith.constant 1 : index
    %get3A_106 = memref.load %arg1[%get3A_104, %get3A_105] : memref<6x4xf32, #tpu.memory_space<smem>>
    %get3A_107 = arith.constant 1 : index
    %get3A_108 = arith.constant 0 : index
    %get3A_109 = arith.constant 0 : index
    %get3A_110 = vector.load %arg2[%get3A_107, %get3A_108, %get3A_109] : memref<4x400x128xf32, #tpu.memory_space<vmem>>, vector<1x400x128xf32>
    %get3A_111 = vector.shape_cast %get3A_110 : vector<1x400x128xf32> to vector<400x128xf32>
    %mul3A_112 = vector.broadcast %get3A_106 : f32 to vector<400x128xf32>
    %mul3A_113 = arith.mulf %mul3A_112, %get3A_111 : vector<400x128xf32>
    %add3A_114 = arith.addf %mul3A_103, %mul3A_113 : vector<400x128xf32>
    %get3A_115 = arith.constant 2 : index
    %get3A_116 = arith.constant 2 : index
    %get3A_117 = memref.load %arg1[%get3A_115, %get3A_116] : memref<6x4xf32, #tpu.memory_space<smem>>
    %get3A_118 = arith.constant 2 : index
    %get3A_119 = arith.constant 0 : index
    %get3A_120 = arith.constant 0 : index
    %get3A_121 = vector.load %arg2[%get3A_118, %get3A_119, %get3A_120] : memref<4x400x128xf32, #tpu.memory_space<vmem>>, vector<1x400x128xf32>
    %get3A_122 = vector.shape_cast %get3A_121 : vector<1x400x128xf32> to vector<400x128xf32>
    %mul3A_123 = vector.broadcast %get3A_117 : f32 to vector<400x128xf32>
    %mul3A_124 = arith.mulf %mul3A_123, %get3A_122 : vector<400x128xf32>
    %add3A_125 = arith.addf %add3A_114, %mul3A_124 : vector<400x128xf32>
    %get3A_126 = arith.constant 2 : index
    %get3A_127 = arith.constant 3 : index
    %get3A_128 = memref.load %arg1[%get3A_126, %get3A_127] : memref<6x4xf32, #tpu.memory_space<smem>>
    %get3A_129 = arith.constant 3 : index
    %get3A_130 = arith.constant 0 : index
    %get3A_131 = arith.constant 0 : index
    %get3A_132 = vector.load %arg2[%get3A_129, %get3A_130, %get3A_131] : memref<4x400x128xf32, #tpu.memory_space<vmem>>, vector<1x400x128xf32>
    %get3A_133 = vector.shape_cast %get3A_132 : vector<1x400x128xf32> to vector<400x128xf32>
    %mul3A_134 = vector.broadcast %get3A_128 : f32 to vector<400x128xf32>
    %mul3A_135 = arith.mulf %mul3A_134, %get3A_133 : vector<400x128xf32>
    %add3A_136 = arith.addf %add3A_125, %mul3A_135 : vector<400x128xf32>
    %swap3A_137 = arith.constant 2 : index
    %swap3A_138 = arith.constant 0 : index
    %swap3A_139 = arith.constant 0 : index
    %swap3A_140 = vector.load %arg3[%swap3A_137, %swap3A_138, %swap3A_139] : memref<6x400x128xf32, #tpu.memory_space<vmem>>, vector<1x400x128xf32>
    %swap3A_141 = vector.shape_cast %swap3A_140 : vector<1x400x128xf32> to vector<400x128xf32>
    %swap3A_142 = vector.shape_cast %add3A_136 : vector<400x128xf32> to vector<1x400x128xf32>
    tpu.vector_store %arg3[%swap3A_137, %swap3A_138, %swap3A_139], %swap3A_142 {strides = array<i32>} : memref<6x400x128xf32, #tpu.memory_space<vmem>>, vector<1x400x128xf32>,
    %get3A_143 = arith.constant 3 : index
    %get3A_144 = arith.constant 0 : index
    %get3A_145 = memref.load %arg1[%get3A_143, %get3A_144] : memref<6x4xf32, #tpu.memory_space<smem>>
    %get3A_146 = arith.constant 0 : index
    %get3A_147 = arith.constant 0 : index
    %get3A_148 = arith.constant 0 : index
    %get3A_149 = vector.load %arg2[%get3A_146, %get3A_147, %get3A_148] : memref<4x400x128xf32, #tpu.memory_space<vmem>>, vector<1x400x128xf32>
    %get3A_150 = vector.shape_cast %get3A_149 : vector<1x400x128xf32> to vector<400x128xf32>
    %mul3A_151 = vector.broadcast %get3A_145 : f32 to vector<400x128xf32>
    %mul3A_152 = arith.mulf %mul3A_151, %get3A_150 : vector<400x128xf32>
    %get3A_153 = arith.constant 3 : index
    %get3A_154 = arith.constant 1 : index
    %get3A_155 = memref.load %arg1[%get3A_153, %get3A_154] : memref<6x4xf32, #tpu.memory_space<smem>>
    %get3A_156 = arith.constant 1 : index
    %get3A_157 = arith.constant 0 : index
    %get3A_158 = arith.constant 0 : index
    %get3A_159 = vector.load %arg2[%get3A_156, %get3A_157, %get3A_158] : memref<4x400x128xf32, #tpu.memory_space<vmem>>, vector<1x400x128xf32>
    %get3A_160 = vector.shape_cast %get3A_159 : vector<1x400x128xf32> to vector<400x128xf32>
    %mul3A_161 = vector.broadcast %get3A_155 : f32 to vector<400x128xf32>
    %mul3A_162 = arith.mulf %mul3A_161, %get3A_160 : vector<400x128xf32>
    %add3A_163 = arith.addf %mul3A_152, %mul3A_162 : vector<400x128xf32>
    %get3A_164 = arith.constant 3 : index
    %get3A_165 = arith.constant 2 : index
    %get3A_166 = memref.load %arg1[%get3A_164, %get3A_165] : memref<6x4xf32, #tpu.memory_space<smem>>
    %get3A_167 = arith.constant 2 : index
    %get3A_168 = arith.constant 0 : index
    %get3A_169 = arith.constant 0 : index
    %get3A_170 = vector.load %arg2[%get3A_167, %get3A_168, %get3A_169] : memref<4x400x128xf32, #tpu.memory_space<vmem>>, vector<1x400x128xf32>
    %get3A_171 = vector.shape_cast %get3A_170 : vector<1x400x128xf32> to vector<400x128xf32>
    %mul3A_172 = vector.broadcast %get3A_166 : f32 to vector<400x128xf32>
    %mul3A_173 = arith.mulf %mul3A_172, %get3A_171 : vector<400x128xf32>
    %add3A_174 = arith.addf %add3A_163, %mul3A_173 : vector<400x128xf32>
    %get3A_175 = arith.constant 3 : index
    %get3A_176 = arith.constant 3 : index
    %get3A_177 = memref.load %arg1[%get3A_175, %get3A_176] : memref<6x4xf32, #tpu.memory_space<smem>>
    %get3A_178 = arith.constant 3 : index
    %get3A_179 = arith.constant 0 : index
    %get3A_180 = arith.constant 0 : index
    %get3A_181 = vector.load %arg2[%get3A_178, %get3A_179, %get3A_180] : memref<4x400x128xf32, #tpu.memory_space<vmem>>, vector<1x400x128xf32>
    %get3A_182 = vector.shape_cast %get3A_181 : vector<1x400x128xf32> to vector<400x128xf32>
    %mul3A_183 = vector.broadcast %get3A_177 : f32 to vector<400x128xf32>
    %mul3A_184 = arith.mulf %mul3A_183, %get3A_182 : vector<400x128xf32>
    %add3A_185 = arith.addf %add3A_174, %mul3A_184 : vector<400x128xf32>
    %swap3A_186 = arith.constant 3 : index
    %swap3A_187 = arith.constant 0 : index
    %swap3A_188 = arith.constant 0 : index
    %swap3A_189 = vector.load %arg3[%swap3A_186, %swap3A_187, %swap3A_188] : memref<6x400x128xf32, #tpu.memory_space<vmem>>, vector<1x400x128xf32>
    %swap3A_190 = vector.shape_cast %swap3A_189 : vector<1x400x128xf32> to vector<400x128xf32>
    %swap3A_191 = vector.shape_cast %add3A_185 : vector<400x128xf32> to vector<1x400x128xf32>
    tpu.vector_store %arg3[%swap3A_186, %swap3A_187, %swap3A_188], %swap3A_191 {strides = array<i32>} : memref<6x400x128xf32, #tpu.memory_space<vmem>>, vector<1x400x128xf32>,
    %get3A_192 = arith.constant 4 : index
    %get3A_193 = arith.constant 0 : index
    %get3A_194 = memref.load %arg1[%get3A_192, %get3A_193] : memref<6x4xf32, #tpu.memory_space<smem>>
    %get3A_195 = arith.constant 0 : index
    %get3A_196 = arith.constant 0 : index
    %get3A_197 = arith.constant 0 : index
    %get3A_198 = vector.load %arg2[%get3A_195, %get3A_196, %get3A_197] : memref<4x400x128xf32, #tpu.memory_space<vmem>>, vector<1x400x128xf32>
    %get3A_199 = vector.shape_cast %get3A_198 : vector<1x400x128xf32> to vector<400x128xf32>
    %mul3A_200 = vector.broadcast %get3A_194 : f32 to vector<400x128xf32>
    %mul3A_201 = arith.mulf %mul3A_200, %get3A_199 : vector<400x128xf32>
    %get3A_202 = arith.constant 4 : index
    %get3A_203 = arith.constant 1 : index
    %get3A_204 = memref.load %arg1[%get3A_202, %get3A_203] : memref<6x4xf32, #tpu.memory_space<smem>>
    %get3A_205 = arith.constant 1 : index
    %get3A_206 = arith.constant 0 : index
    %get3A_207 = arith.constant 0 : index
    %get3A_208 = vector.load %arg2[%get3A_205, %get3A_206, %get3A_207] : memref<4x400x128xf32, #tpu.memory_space<vmem>>, vector<1x400x128xf32>
    %get3A_209 = vector.shape_cast %get3A_208 : vector<1x400x128xf32> to vector<400x128xf32>
    %mul3A_210 = vector.broadcast %get3A_204 : f32 to vector<400x128xf32>
    %mul3A_211 = arith.mulf %mul3A_210, %get3A_209 : vector<400x128xf32>
    %add3A_212 = arith.addf %mul3A_201, %mul3A_211 : vector<400x128xf32>
    %get3A_213 = arith.constant 4 : index
    %get3A_214 = arith.constant 2 : index
    %get3A_215 = memref.load %arg1[%get3A_213, %get3A_214] : memref<6x4xf32, #tpu.memory_space<smem>>
    %get3A_216 = arith.constant 2 : index
    %get3A_217 = arith.constant 0 : index
    %get3A_218 = arith.constant 0 : index
    %get3A_219 = vector.load %arg2[%get3A_216, %get3A_217, %get3A_218] : memref<4x400x128xf32, #tpu.memory_space<vmem>>, vector<1x400x128xf32>
    %get3A_220 = vector.shape_cast %get3A_219 : vector<1x400x128xf32> to vector<400x128xf32>
    %mul3A_221 = vector.broadcast %get3A_215 : f32 to vector<400x128xf32>
    %mul3A_222 = arith.mulf %mul3A_221, %get3A_220 : vector<400x128xf32>
    %add3A_223 = arith.addf %add3A_212, %mul3A_222 : vector<400x128xf32>
    %get3A_224 = arith.constant 4 : index
    %get3A_225 = arith.constant 3 : index
    %get3A_226 = memref.load %arg1[%get3A_224, %get3A_225] : memref<6x4xf32, #tpu.memory_space<smem>>
    %get3A_227 = arith.constant 3 : index
    %get3A_228 = arith.constant 0 : index
    %get3A_229 = arith.constant 0 : index
    %get3A_230 = vector.load %arg2[%get3A_227, %get3A_228, %get3A_229] : memref<4x400x128xf32, #tpu.memory_space<vmem>>, vector<1x400x128xf32>
    %get3A_231 = vector.shape_cast %get3A_230 : vector<1x400x128xf32> to vector<400x128xf32>
    %mul3A_232 = vector.broadcast %get3A_226 : f32 to vector<400x128xf32>
    %mul3A_233 = arith.mulf %mul3A_232, %get3A_231 : vector<400x128xf32>
    %add3A_234 = arith.addf %add3A_223, %mul3A_233 : vector<400x128xf32>
    %swap3A_235 = arith.constant 4 : index
    %swap3A_236 = arith.constant 0 : index
    %swap3A_237 = arith.constant 0 : index
    %swap3A_238 = vector.load %arg3[%swap3A_235, %swap3A_236, %swap3A_237] : memref<6x400x128xf32, #tpu.memory_space<vmem>>, vector<1x400x128xf32>
    %swap3A_239 = vector.shape_cast %swap3A_238 : vector<1x400x128xf32> to vector<400x128xf32>
    %swap3A_240 = vector.shape_cast %add3A_234 : vector<400x128xf32> to vector<1x400x128xf32>
    tpu.vector_store %arg3[%swap3A_235, %swap3A_236, %swap3A_237], %swap3A_240 {strides = array<i32>} : memref<6x400x128xf32, #tpu.memory_space<vmem>>, vector<1x400x128xf32>,
    %get3A_241 = arith.constant 5 : index
    %get3A_242 = arith.constant 0 : index
    %get3A_243 = memref.load %arg1[%get3A_241, %get3A_242] : memref<6x4xf32, #tpu.memory_space<smem>>
    %get3A_244 = arith.constant 0 : index
    %get3A_245 = arith.constant 0 : index
    %get3A_246 = arith.constant 0 : index
    %get3A_247 = vector.load %arg2[%get3A_244, %get3A_245, %get3A_246] : memref<4x400x128xf32, #tpu.memory_space<vmem>>, vector<1x400x128xf32>
    %get3A_248 = vector.shape_cast %get3A_247 : vector<1x400x128xf32> to vector<400x128xf32>
    %mul3A_249 = vector.broadcast %get3A_243 : f32 to vector<400x128xf32>
    %mul3A_250 = arith.mulf %mul3A_249, %get3A_248 : vector<400x128xf32>
    %get3A_251 = arith.constant 5 : index
    %get3A_252 = arith.constant 1 : index
    %get3A_253 = memref.load %arg1[%get3A_251, %get3A_252] : memref<6x4xf32, #tpu.memory_space<smem>>
    %get3A_254 = arith.constant 1 : index
    %get3A_255 = arith.constant 0 : index
    %get3A_256 = arith.constant 0 : index
    %get3A_257 = vector.load %arg2[%get3A_254, %get3A_255, %get3A_256] : memref<4x400x128xf32, #tpu.memory_space<vmem>>, vector<1x400x128xf32>
    %get3A_258 = vector.shape_cast %get3A_257 : vector<1x400x128xf32> to vector<400x128xf32>
    %mul3A_259 = vector.broadcast %get3A_253 : f32 to vector<400x128xf32>
    %mul3A_260 = arith.mulf %mul3A_259, %get3A_258 : vector<400x128xf32>
    %add3A_261 = arith.addf %mul3A_250, %mul3A_260 : vector<400x128xf32>
    %get3A_262 = arith.constant 5 : index
    %get3A_263 = arith.constant 2 : index
    %get3A_264 = memref.load %arg1[%get3A_262, %get3A_263] : memref<6x4xf32, #tpu.memory_space<smem>>
    %get3A_265 = arith.constant 2 : index
    %get3A_266 = arith.constant 0 : index
    %get3A_267 = arith.constant 0 : index
    %get3A_268 = vector.load %arg2[%get3A_265, %get3A_266, %get3A_267] : memref<4x400x128xf32, #tpu.memory_space<vmem>>, vector<1x400x128xf32>
    %get3A_269 = vector.shape_cast %get3A_268 : vector<1x400x128xf32> to vector<400x128xf32>
    %mul3A_270 = vector.broadcast %get3A_264 : f32 to vector<400x128xf32>
    %mul3A_271 = arith.mulf %mul3A_270, %get3A_269 : vector<400x128xf32>
    %add3A_272 = arith.addf %add3A_261, %mul3A_271 : vector<400x128xf32>
    %get3A_273 = arith.constant 5 : index
    %get3A_274 = arith.constant 3 : index
    %get3A_275 = memref.load %arg1[%get3A_273, %get3A_274] : memref<6x4xf32, #tpu.memory_space<smem>>
    %get3A_276 = arith.constant 3 : index
    %get3A_277 = arith.constant 0 : index
    %get3A_278 = arith.constant 0 : index
    %get3A_279 = vector.load %arg2[%get3A_276, %get3A_277, %get3A_278] : memref<4x400x128xf32, #tpu.memory_space<vmem>>, vector<1x400x128xf32>
    %get3A_280 = vector.shape_cast %get3A_279 : vector<1x400x128xf32> to vector<400x128xf32>
    %mul3A_281 = vector.broadcast %get3A_275 : f32 to vector<400x128xf32>
    %mul3A_282 = arith.mulf %mul3A_281, %get3A_280 : vector<400x128xf32>
    %add3A_283 = arith.addf %add3A_272, %mul3A_282 : vector<400x128xf32>
    %swap3A_284 = arith.constant 5 : index
    %swap3A_285 = arith.constant 0 : index
    %swap3A_286 = arith.constant 0 : index
    %swap3A_287 = vector.load %arg3[%swap3A_284, %swap3A_285, %swap3A_286] : memref<6x400x128xf32, #tpu.memory_space<vmem>>, vector<1x400x128xf32>
    %swap3A_288 = vector.shape_cast %swap3A_287 : vector<1x400x128xf32> to vector<400x128xf32>
    %swap3A_289 = vector.shape_cast %add3A_283 : vector<400x128xf32> to vector<1x400x128xf32>
    tpu.vector_store %arg3[%swap3A_284, %swap3A_285, %swap3A_286], %swap3A_289 {strides = array<i32>} : memref<6x400x128xf32, #tpu.memory_space<vmem>>, vector<1x400x128xf32>,
    return
  }
  func.func @transform_0(%arg0: i32) -> (i32, i32) {
    %c0_i32 = arith.constant 0 : i32
    %c0_i32_0 = arith.constant 0 : i32
    %c0_i32_1 = arith.constant 0 : i32
    return %c0_i32, %c0_i32_0 : i32, i32
  }
  func.func @transform_1(%arg0: i32) -> (i32, i32, i32) {
    %c0_i32 = arith.constant 0 : i32
    %c0_i32_0 = arith.constant 0 : i32
    %c0_i32_1 = arith.constant 0 : i32
    return %c0_i32, %arg0, %c0_i32_0 : i32, i32, i32
  }
  func.func @transform_2(%arg0: i32) -> (i32, i32, i32) {
    %c0_i32 = arith.constant 0 : i32
    %c0_i32_0 = arith.constant 0 : i32
    %c0_i32_1 = arith.constant 0 : i32
    return %c0_i32, %arg0, %c0_i32_0 : i32, i32, i32
  }
}

module attributes {stable_mosaic.version = 14 : i64} {
  func.func @body(%arg0: i32, %arg1: memref<2x512x128xf32, #tpu.memory_space<vmem>>, %arg2: memref<2x512x1xf32, #tpu.memory_space<vmem>>, %arg3: memref<512x128xf32, #tpu.memory_space<vmem>>, %arg4: memref<1x128xf32, #tpu.memory_space<vmem>>, %arg5: memref<512x128xf32, #tpu.memory_space<vmem>>) attributes {dimension_semantics = [#tpu.dimension_semantics<arbitrary>], iteration_bounds = array<i64: 20>, scalar_prefetch = 0 : i64, scratch_operands = 0 : i64, tpu.core_type = #tpu.core_type<tc>, window_params = [{transform_indices = @transform_0, window_bounds = array<i64: 2, 512, 128>}, {transform_indices = @transform_1, window_bounds = array<i64: 2, 512, 1>}, {transform_indices = @transform_2, window_bounds = array<i64: 512, 128>}, {pipeline_mode = #tpu.pipeline_mode<synchronous>, transform_indices = @transform_3, window_bounds = array<i64: 1, 128>}, {transform_indices = @transform_4, window_bounds = array<i64: 512, 128>}]} {
    %get3A = arith.constant 0 : index
    %get3A_0 = arith.constant 0 : index
    %get3A_1 = arith.constant 0 : index
    %get3A_2 = vector.load %arg1[%get3A, %get3A_0, %get3A_1] : memref<2x512x128xf32, #tpu.memory_space<vmem>>, vector<1x512x128xf32>
    %get3A_3 = vector.shape_cast %get3A_2 : vector<1x512x128xf32> to vector<512x128xf32>
    %get3A_4 = arith.constant 1 : index
    %get3A_5 = arith.constant 0 : index
    %get3A_6 = arith.constant 0 : index
    %get3A_7 = vector.load %arg1[%get3A_4, %get3A_5, %get3A_6] : memref<2x512x128xf32, #tpu.memory_space<vmem>>, vector<1x512x128xf32>
    %get3A_8 = vector.shape_cast %get3A_7 : vector<1x512x128xf32> to vector<512x128xf32>
    %add3A = arith.addf %get3A_3, %get3A_8 : vector<512x128xf32>
    %get3A_9 = arith.constant 0 : index
    %get3A_10 = arith.constant 0 : index
    %get3A_11 = arith.constant 0 : index
    %get3A_12 = vector.load %arg2[%get3A_9, %get3A_10, %get3A_11] : memref<2x512x1xf32, #tpu.memory_space<vmem>>, vector<1x512x1xf32>
    %get3A_13 = vector.shape_cast %get3A_12 : vector<1x512x1xf32> to vector<512x1xf32>
    %get3A_14 = arith.constant 1 : index
    %get3A_15 = arith.constant 0 : index
    %get3A_16 = arith.constant 0 : index
    %get3A_17 = vector.load %arg2[%get3A_14, %get3A_15, %get3A_16] : memref<2x512x1xf32, #tpu.memory_space<vmem>>, vector<1x512x1xf32>
    %get3A_18 = vector.shape_cast %get3A_17 : vector<1x512x1xf32> to vector<512x1xf32>
    %add3A_19 = arith.addf %get3A_13, %get3A_18 : vector<512x1xf32>
    %max3A = arith.constant 1.000000e+00 : f32
    %max3A_20 = vector.broadcast %max3A : f32 to vector<512x1xf32>
    %max3A_21 = arith.maximumf %add3A_19, %max3A_20 : vector<512x1xf32>
    %div3A = vector.broadcast %max3A_21 : vector<512x1xf32> to vector<512x128xf32>
    %div3A_22 = arith.divf %add3A, %div3A : vector<512x128xf32>
    %get3A_23 = arith.constant 0 : index
    %get3A_24 = arith.constant 0 : index
    %get3A_25 = vector.load %arg3[%get3A_23, %get3A_24] : memref<512x128xf32, #tpu.memory_space<vmem>>, vector<512x128xf32>
    %add3A_26 = arith.addf %div3A_22, %get3A_25 : vector<512x128xf32>
    %get3A_27 = arith.constant 0 : index
    %get3A_28 = arith.constant 0 : index
    %get3A_29 = vector.load %arg4[%get3A_27, %get3A_28] : memref<1x128xf32, #tpu.memory_space<vmem>>, vector<1x128xf32>
    %add3A_30 = vector.broadcast %get3A_29 : vector<1x128xf32> to vector<512x128xf32>
    %add3A_31 = arith.addf %add3A_26, %add3A_30 : vector<512x128xf32>
    %swap3A = arith.constant 0 : index
    %swap3A_32 = arith.constant 0 : index
    %swap3A_33 = vector.load %arg5[%swap3A, %swap3A_32] : memref<512x128xf32, #tpu.memory_space<vmem>>, vector<512x128xf32>
    tpu.vector_store %arg5[%swap3A, %swap3A_32], %add3A_31 {strides = array<i32>} : memref<512x128xf32, #tpu.memory_space<vmem>>, vector<512x128xf32>,
    return
  }
  func.func @transform_0(%arg0: i32) -> (i32, i32, i32) {
    %c0_i32 = arith.constant 0 : i32
    %c0_i32_0 = arith.constant 0 : i32
    %c0_i32_1 = arith.constant 0 : i32
    return %c0_i32, %arg0, %c0_i32_0 : i32, i32, i32
  }
  func.func @transform_1(%arg0: i32) -> (i32, i32, i32) {
    %c0_i32 = arith.constant 0 : i32
    %c0_i32_0 = arith.constant 0 : i32
    %c0_i32_1 = arith.constant 0 : i32
    return %c0_i32, %arg0, %c0_i32_0 : i32, i32, i32
  }
  func.func @transform_2(%arg0: i32) -> (i32, i32) {
    %c0_i32 = arith.constant 0 : i32
    %c0_i32_0 = arith.constant 0 : i32
    return %arg0, %c0_i32 : i32, i32
  }
  func.func @transform_3(%arg0: i32) -> (i32, i32) {
    %c0_i32 = arith.constant 0 : i32
    %c0_i32_0 = arith.constant 0 : i32
    %c0_i32_1 = arith.constant 0 : i32
    return %c0_i32, %c0_i32_0 : i32, i32
  }
  func.func @transform_4(%arg0: i32) -> (i32, i32) {
    %c0_i32 = arith.constant 0 : i32
    %c0_i32_0 = arith.constant 0 : i32
    return %arg0, %c0_i32 : i32, i32
  }
}

</mosaic_0001>

<sc_bundles>
// kernel: kernel.5.cloned.1.call-start
scs
__scs_entry_jumppad:
0x0: {  	(pc) =	sbr.rel $0x88, $3  }
0x1: {  	(tag) =	ssettag $0x0;
	lr =	simm.s32 $0x1  }
0x2: {  	[smem:$0x3F9B] =	sst lr;
	_ =	strace $0xD0000000  }
0x3: {  	_ = 	snop  }
0x4: {  	_ = 	snop  }
0x5: {  	_ = 	snop  }
0x6: {  	_ = 	snop  }
0x7: {  	_ = 	snop  }
__scs_overlays_trampoline_lowered:
0x8: {  	[smem:$0x3FAA] =	sst s0  }
0x9: {  	[smem:$0x3FAB] =	sst s1  }
0xa: {  	[smem:$0x3FAC] =	sst s2  }
0xb: {  	[smem:$0x3FAD] =	sst s3  }
0xc: {  	[smem:$0x3FAE] =	sst s4  }
0xd: {  	[smem:$0x3FAF] =	sst s5  }
0xe: {  	[smem:$0x3FB0] =	sst s6  }
0xf: {  	[smem:$0x3FB1] =	sst s7  }
0x10: {  	[smem:$0x3FB2] =	sst s8  }
0x11: {  	[smem:$0x3FB3] =	sst s9;
	s0 =	simm.s32 @!p0 $0x0  }
0x12: {  	s1 =	sld [smem:$0x3F99];
	s0 =	simm.s32 @p0 $0x1  }
0x13: {  	[smem:$0x3FB4] =	sst s0;
	s0 =	simm.s32 @!p1 $0x0  }
0x14: {  	s2 =	sld [smem:$0x3F98];
	s0 =	simm.s32 @p1 $0x1  }
0x15: {  	[smem:$0x3FB5] =	sst s0;
	s0 =	simm.s32 @!p2 $0x0  }
0x16: {  	s3 =	sld [smem:$0x3FDB];
	s0 =	simm.s32 @p2 $0x1  }
0x17: {  	s4 =	simm.s32 $0x1BF5;
	[smem:$0x3FB7] =	sst s0  }
0x18: {  	s0 =	sld [smem:$0x3F9A];
	_ =	swait.ge [sflag:s4], $0x0  }
0x19: {  	s7 =	sld [smem:$0x3F9B]  }
0x1a: {  	s8 =	sadd.s32 $0xFFFFE003, lr  }
0x1b: {  	s9 =	sadd.s32 $0xFFFFFEF7, lr;
	s5 =	simm.s32 $0xFFFFFFFF;
	p2 =	slt.u32 s8, $0xFFFFF086  }
0x1c: {  	p1 =	slt.u32 s9, $0xF7A;
	s5 =	simm.s32 @!p2 $0x0  }
0x1d: {  	s5 =	simm.s32 @p1 $0x1;
	p0 =	seq.s32 s7, s2  }
0x1e: {  	s7 =	smul.u32 @!p0 $0xF7A, s2;
	p2 =	seq.s32 @!p0 s5, $0x0  }
0x1f: {  	s9 =	smul.u32 $0xF7A, s1;
	s8 =	simm.s32 @!p0 $0x1BF5;
	p2 =	por !p2, p0  }
0x20: {  	[sflag:s8] =	ssyncset.s32 @!p0 $0xFFFFF086;
	s6 =	sadd.s32 @!p0 s3, s7;
	s7 =	simm.s32 @!p0 $0x108  }
0x21: {  	s3 =	sadd.s32 s3, s9;
	s6 =	sadd.s32 @!p0 $0x88, s6;
	s7 =	simm.s32 @p2 $0x1082  }
0x22: {  	[simem:s7], [sflag:s8] =	dma.local @!p0 [hbm:s6], $0xF7A  }
0x23: {  	s9 =	sor.u32 $0xD0000000, s2;
	s6 =	simm.s32 $0x108;
	_ =	swait.ge @!p0 [sflag:s8], $0x0  }
0x24: {  	s3 =	sadd.s32 $0x88, s3;
	s6 =	simm.s32 @!p1 $0x1082;
	[sflag:s4] =	ssyncset.s32 $0xFFFFF086  }
0x25: {  	[simem:s6], [sflag:s4] =	dma.local [hbm:s3], $0xF7A  }
0x26: {  	[smem:$0x3F9B] =	sst s1;
	(tag) =	ssettag s2;
	_ =	strace s9  }
0x27: {  	s1 =	sld [smem:$0x3FAB]  }
0x28: {  	s2 =	sld [smem:$0x3FAC]  }
0x29: {  	s4 =	sld [smem:$0x3FAE]  }
0x2a: {  	p0 =	seq.s32 s5, $0x0;
	s5 =	sld [smem:$0x3FAF]  }
0x2b: {  	s6 =	sld [smem:$0x3FB0]  }
0x2c: {  	s7 =	sld [smem:$0x3FB1]  }
0x2d: {  	s3 =	simm.s32 $0x108;
	s8 =	sld [smem:$0x3FB2]  }
0x2e: {  	s3 =	simm.s32 @!p0 $0x1082;
	s9 =	sld [smem:$0x3FB3]  }
0x2f: {  	lr =	sadd.s32 s0, s3;
	s0 =	sld [smem:$0x3FAA]  }
0x30: {  	s3 =	sld [smem:$0x3FAD]  }
0x31: {  	[smem:$0x3FB6] =	sst s10  }
0x32: {  	s10 =	sld [smem:$0x3FB4];
	_ =	sdelay $0x3  }
0x33: {  	p0 =	seq.s32 s10, $0x1;
	s10 =	sld [smem:$0x3FB6];
	_ =	sdelay $0x3  }
0x34: {  	[smem:$0x3FB6] =	sst s10  }
0x35: {  	s10 =	sld [smem:$0x3FB5];
	_ =	sdelay $0x3  }
0x36: {  	p1 =	seq.s32 s10, $0x1;
	s10 =	sld [smem:$0x3FB6];
	_ =	sdelay $0x3  }
0x37: {  	[smem:$0x3FB6] =	sst s10  }
0x38: {  	s10 =	sld [smem:$0x3FB7]  }
0x39: {  	_ = 	snop;
	(pc) =	sbr.ind lr, $3  }
0x3a: {  	_ = 	snop  }
0x3b: {  	_ = 	snop  }
0x3c: {  	p2 =	seq.s32 s10, $0x1;
	s10 =	sld [smem:$0x3FB6]  }
0x3d: {  	_ =	shalt  }
0x3e: {  	_ =	shalt  }
0x3f: {  	_ =	shalt  }
0x40: {  	_ =	shalt  }
0x41: {  	_ =	shalt  }
0x42: {  	_ =	shalt  }
0x43: {  	_ =	shalt  }
0x44: {  	_ =	shalt  }
0x45: {  	_ =	shalt  }
0x46: {  	_ =	shalt  }
0x47: {  	_ =	shalt  }
0x48: {  	_ =	shalt  }
0x49: {  	_ =	shalt  }
0x4a: {  	_ =	shalt  }
0x4b: {  	_ =	shalt  }
0x4c: {  	_ =	shalt  }
0x4d: {  	_ =	shalt  }
0x4e: {  	_ =	shalt  }
0x4f: {  	_ =	shalt  }
0x50: {  	_ =	shalt  }
0x51: {  	_ =	shalt  }
0x52: {  	_ =	shalt  }
0x53: {  	_ =	shalt  }
0x54: {  	_ =	shalt  }
0x55: {  	_ =	shalt  }
0x56: {  	_ =	shalt  }
0x57: {  	_ =	shalt  }
0x58: {  	_ =	shalt  }
0x59: {  	_ =	shalt  }
0x5a: {  	_ =	shalt  }
0x5b: {  	_ =	shalt  }
0x5c: {  	_ =	shalt  }
0x5d: {  	_ =	shalt  }
0x5e: {  	_ =	shalt  }
0x5f: {  	_ =	shalt  }
0x60: {  	_ =	shalt  }
0x61: {  	_ =	shalt  }
0x62: {  	_ =	shalt  }
0x63: {  	_ =	shalt  }
0x64: {  	_ =	shalt  }
0x65: {  	_ =	shalt  }
0x66: {  	_ =	shalt  }
0x67: {  	_ =	shalt  }
0x68: {  	_ =	shalt  }
0x69: {  	_ =	shalt  }
0x6a: {  	_ =	shalt  }
0x6b: {  	_ =	shalt  }
0x6c: {  	_ =	shalt  }
0x6d: {  	_ =	shalt  }
0x6e: {  	_ =	shalt  }
0x6f: {  	_ =	shalt  }
0x70: {  	_ =	shalt  }
0x71: {  	_ =	shalt  }
0x72: {  	_ =	shalt  }
0x73: {  	_ =	shalt  }
0x74: {  	_ =	shalt  }
0x75: {  	_ =	shalt  }
0x76: {  	_ =	shalt  }
0x77: {  	_ =	shalt  }
0x78: {  	_ =	shalt  }
0x79: {  	_ =	shalt  }
0x7a: {  	_ =	shalt  }
0x7b: {  	_ =	shalt  }
0x7c: {  	_ =	shalt  }
0x7d: {  	_ =	shalt  }
0x7e: {  	_ =	shalt  }
0x7f: {  	_ =	shalt  }
0x80: {  	_ =	shalt  }
0x81: {  	_ =	shalt  }
0x82: {  	_ =	shalt  }
0x83: {  	_ =	shalt  }
0x84: {  	_ =	shalt  }
0x85: {  	_ =	shalt  }
0x86: {  	_ =	shalt  }
0x87: {  	_ =	shalt  }
.Lfunc_end0:
.L_simem_size_0:
called_computation_lowered:
.L_overlay_start_0:
0x88: {  	s2 =	sld [smem:$0x3FD9]  }
0x89: {  	s3 =	sld [smem:$0x3FFE];
	_ =	sdelay $0x1  }
0x8a: {  	s1 =	srdreg.scid  }
0x8b: {  	s0 =	sand.u32 $0x1, s1  }
0x8c: {  	s17 =	sshll.u32 s0, $0xA;
	s2 =	sadd.s32 s3, s2  }
0x8d: {  	s2 =	sadd.s32 s2, s17  }
0x8e: {  	[smem:$0x3FC2] =	sst s2  }
0x8f: {  	_ = 	snop  }
0x90: {  	s2 =	sld [smem:$0x3FD0];
	(tm) =	ssettm $0x1  }
0x91: {  	s18 =	sld [smem:$0x3FFB];
	_ =	sdelay $0x3  }
0x92: {  	_ =	strace s18  }
0x93: {  	s3 =	sld [smem:$0x3FFC];
	_ =	sdelay $0x3  }
0x94: {  	_ =	strace s3  }
0x95: {  	s3 =	sld [smem:$0x3FFD];
	_ =	sdelay $0x3  }
0x96: {  	_ =	strace s3  }
0x97: {  	_ =	strace $0x8FFFFFFF  }
0x98: {  	s19 =	sld [smem:$0x3FDB];
	_ =	sdelay $0x1  }
0x99: {  	s4 =	simm.s32 $_scs_section_size  }
0x9a: {  	s5 =	simm.s32 $_size__tile_overlayer_lowered;
	s6 =	simm.s32 $_tile_overlayer_lowered  }
0x9b: {  	s22 =	simm.s32 $0x1BFF;
	s21 =	sshll.u32 s6, $0x1;
	s3 =	sadd.s32 s4, s19  }
0x9c: {  	s7 =	simm.s32 $0x0;
	s20 =	sshll.u32 s5, $0x1;
	s5 =	sadd.s32 s21, s3  }
0x9d: {  	[timem:s7], [sflag:s22] =	dma.local [hbm:s5], s20  }
0x9e: {  	_ =	swait.ge [sflag:s22], s20  }
0x9f: {  	s4 =	ssub.s32 $0x0, s20;
	[sflag:s22] =	ssyncset.done $0x0  }
0xa0: {  	[sflag:s22] =	ssyncadd.s32 s4;
	_ =	sdelay $0x1  }
0xa1: {  	s23 =	simm.s32 $0x1B8B  }
0xa2: {  	_ =	swait.ge [sflag:s23], $0x1  }
0xa3: {  	[sflag:s23] =	ssyncset.done $0x0  }
0xa4: {  	s25 =	simm.s32 $0x1B8E;
	s24 =	sld [smem:$0x3FFE];
	[sflag:s23] =	ssyncadd.s32 $0xFFFFFFFF  }
0xa5: {  	s26 =	simm.s32 $execute0_lowered;
	[smem:$0x3FD2] =	sst s25  }
0xa6: {  	s5 =	sshll.u32 s26, $0x1;
	_ =	strace $0x80000046;
	[dreg:$0x1] =	wrdreg $0xFFFFFFFF  }
0xa7: {  	s28 =	simm.s32 $_size_execute0_lowered;
	s3 =	sadd.s32 s3, s5;
	[dreg:$0x0] =	wrdreg $0x0  }
0xa8: {  	s5 =	sshll.u32 s28, $0x1;
	[dreg:$0x2] =	wrdreg s3  }
0xa9: {  	[dreg:$0x3] =	wrdreg s5  }
0xaa: {  	[dreg:$0x4] =	wrdreg $0xC0  }
0xab: {  	_ =	task [dreg:s7], $0x5FFFF  }
0xac: {  	[dreg:$0x1] =	wrdreg $0xFFFFFFFF  }
0xad: {  	[dreg:$0x0] =	wrdreg $0x60  }
0xae: {  	[dreg:$0x2] =	wrdreg s24  }
0xaf: {  	[dreg:$0x3] =	wrdreg s2  }
0xb0: {  	[dreg:$0x4] =	wrdreg $0xBA000  }
0xb1: {  	[dreg:$0x5] =	wrdreg $0x1FA000  }
0xb2: {  	[dreg:$0x6] =	wrdreg $0x9  }
0xb3: {  	_ =	task.clear_ibuf [dreg:s7], $0x7FFFF;
	_ =	strace $0x90000046  }
0xb4: {  	s29 =	simm.s32 $0x9;
	_ =	strace $0x80000048  }
0xb5: {  	_ =	swait.ge [sflag:s29], $0x1  }
0xb6: {  	[sflag:s29] =	ssyncadd.s32 $0xFFFFFFFF  }
0xb7: {  	_ =	strace $0x90000048  }
0xb8: {  	_ =	sfence  }
0xb9: {  	s30 =	sld [smem:$0x0];
	_ =	sdelay $0x2  }
0xba: {  	s31 =	sshll.u32 s1, $0xD;
	s1 =	sshrl.u32 s1, $0x2  }
0xbb: {  	s3 =	sand.u32 $0x4000, s31;
	s1 =	sadd.s32 s1, s30  }
0xbc: {  	s0 =	sor.u32 s3, s0;
	s1 =	sshll.u32 s1, $0x11  }
0xbd: {  	s0 =	sor.u32 s1, s0  }
0xbe: {  	s0 =	sadd.s32 $0x8F2B, s0  }
0xbf: {  	[sflag:s0] =	ssyncadd.remote.s32 $0x1  }
0xc0: {  	_ =	sfence.sel $0xFFFF  }
0xc1: {  	[dreg:$0x0] =	wrdreg $0xFFFFFFFF;
	(pc) =	sbr.abs _section_cstart, $3  }
0xc2: {  	[dreg:$0x1] =	wrdreg $0xFFFFFFFF  }
0xc3: {  	_ =	task.clear_ibuf [dreg:s7], $0x2FFFF;
	_ =	strace $0x9FFFFFFF  }
0xc4: {  	(tm) =	ssettm $0x7FFFFFFF  }
0xc5: {  	_ =	shalt  }
tec
execute0_lowered:
.L_overlay_start_1:
0x0: {  	(tag) =	ssettag $0x1  }
0x1: {  	s0 =	rddreg [dreg:$0x0]  }
0x2: {  	s1 =	rddreg [dreg:$0x1]  }
0x3: {  	s2 =	rddreg [dreg:$0x2];
	s4 =	srdreg.scid  }
0x4: {  	s3 =	rddreg [dreg:$0x3];
	s9 =	stileid.u32  }
0x5: {  	s28 =	simm.s32 $0x80;
	s29 =	simm.s32 $0x1;
	s30 =	simm.s32 $0xB700  }
0x6: {  	s31 =	simm.s32 $0x0;
	s6 =	sand.u32 $0x1, s4;
	s11 =	smul.u32 $0x280, s9  }
0x7: {  	s4 =	simm.s32 $0x0;
	s5 =	sshll.u32 s6, $0x4;
	s22 =	smul.u32 $0x2800, s6  }
0x8: {  	[smem:$0x7FF] =	sst s4;
	s24 =	ssub.s32 $0x2, s6;
	s13 =	sor.u32 s9, s5  }
0x9: {  	_ =	strace $0x80000047;
	s9 =	smul.u32 $0x50000, s9;
	s5 =	sadd.s32 $0x14E00, s0  }
0xa: {  	s26 =	sshrl.u32 s24, $0x1;
	s7 =	smul.u32 $0x4F0, s13;
	s8 =	sadd.s32 s11, s22  }
0xb: {  	s21 =	ssub.s32 s24, s26;
	s11 =	sadd.s32 s11, s3;
	s16 =	smul.u32 $0x500, s13  }
0xc: {  	s22 =	simm.s32 $0x7700;
	s24 =	simm.s32 $0xB780;
	s23 =	sshll.u32 s8, $0x4  }
0xd: {  	s25 =	sshrl.u32 s9, $0x2;
	s8 =	sshrl.u32 s8, $0x3;
	s21 =	smax.u32 s21, $0x1  }
0xe: {  	s14 =	sadd.s32 s7, s0;
	s19 =	sadd.s32 s23, s0;
	s6 =	sadd.s32 s25, s2  }
0xf: {  	s0 =	sadd.s32 s8, s0;
	s16 =	sadd.s32 s1, s16;
	s7 =	sadd.s32 $0x4000, s6  }
0x10: {  	s8 =	sadd.s32 $0x8000, s6;
	s9 =	sadd.s32 $0xC000, s6;
	s10 =	sadd.s32 $0x10000, s6  }
0x11: {  	s12 =	sadd.s32 $0x1200, s14;
	s13 =	sadd.s32 $0xB000, s14;
	s15 =	sadd.s32 $0x100600, s19  }
0x12: {  	s23 =	simm.s32 $0x2;
	s17 =	sadd.s32 $0x100E00, s19;
	s18 =	sadd.s32 $0x101600, s19  }
0x13: {  	v0 =	vimm.f32 $0.0e+00;
	v1 =	vimm.f32 $1.000000000e+00;
	s14 =	sadd.s32 $0xFFE00, s19;
	s19 =	sadd.s32 $0x101E00, s19;
	s20 =	sadd.s32 $0xFF400, s0  }
.LBB2_1:
0x14: {  	s0 =	simm.s32 $0x0;
	s1 =	simm.s32 $0x200  }
.LBB2_2:
0x15: {  	p0 =	sne.s32 s1, $0xFE00;
	[tilespmem:s0+$0x7770] =	vst v0  }
0x16: {  	[tilespmem:s0+$0x7700] =	vst v0  }
0x17: {  	[tilespmem:s0+$0x7710] =	vst v0  }
.Ltmp0:
0x18: {  	[tilespmem:s0+$0x7720] =	vst v0;
	(pc) =	sbr.rel @p0 .LBB2_2-.Ltmp0, $4  }
0x19: {  	[tilespmem:s0+$0x7730] =	vst v0  }
0x1a: {  	[tilespmem:s0+$0x7740] =	vst v0  }
0x1b: {  	[tilespmem:s0+$0x7750] =	vst v0  }
0x1c: {  	[tilespmem:s0+$0x7760] =	vst v0;
	s0 =	sshra.s32 s1, $0x2;
	s1 =	sadd.s32 $0x200, s1  }
0x1d: {  	[tilespmem:s0+$0x7770] =	vst v0  }
0x1e: {  	[tilespmem:s0+$0x7700] =	vst v0  }
0x1f: {  	[tilespmem:s0+$0x7710] =	vst v0  }
0x20: {  	[tilespmem:s0+$0x7720] =	vst v0  }
0x21: {  	[tilespmem:s0+$0x7730] =	vst v0  }
0x22: {  	[tilespmem:s0+$0x7740] =	vst v0  }
0x23: {  	[tilespmem:s0+$0x7750] =	vst v0  }
0x24: {  	[tilespmem:s0+$0x7760] =	vst v0  }
0x25: {  	[tilespmem:$0xB700] =	vst v1  }
0x26: {  	[tilespmem:$0xB710] =	vst v1  }
0x27: {  	[tilespmem:$0xB720] =	vst v1  }
0x28: {  	[tilespmem:$0xB730] =	vst v1  }
0x29: {  	[tilespmem:$0xB740] =	vst v1  }
0x2a: {  	[tilespmem:$0xB750] =	vst v1  }
0x2b: {  	[tilespmem:$0xB760] =	vst v1  }
0x2c: {  	[tilespmem:$0xB770] =	vst v1  }
0x2d: {  	[tilespmem:$0xB780] =	vst v0  }
0x2e: {  	[tilespmem:$0xB790] =	vst v0  }
0x2f: {  	[tilespmem:$0xB7A0] =	vst v0  }
0x30: {  	[tilespmem:$0xB7B0] =	vst v0  }
0x31: {  	[tilespmem:$0xB7C0] =	vst v0  }
0x32: {  	[tilespmem:$0xB7D0] =	vst v0  }
0x33: {  	[tilespmem:$0xB7E0] =	vst v0  }
0x34: {  	[tilespmem:$0xB7F0] =	vst v0  }
0x35: {  	[tilespmem:$0xB800] =	vst v0  }
0x36: {  	[tilespmem:$0xB810] =	vst v0  }
0x37: {  	[tilespmem:$0xB820] =	vst v0  }
0x38: {  	[tilespmem:$0xB830] =	vst v0  }
0x39: {  	[tilespmem:$0xB840] =	vst v0  }
0x3a: {  	[tilespmem:$0xB850] =	vst v0  }
0x3b: {  	[tilespmem:$0xB860] =	vst v0  }
0x3c: {  	[tilespmem:$0xB870] =	vst v0  }
0x3d: {  	[tilespmem:$0xB880] =	vst v0  }
0x3e: {  	[tilespmem:$0xB890] =	vst v0  }
0x3f: {  	[tilespmem:$0xB8A0] =	vst v0  }
0x40: {  	[tilespmem:$0xB8B0] =	vst v0  }
0x41: {  	[tilespmem:$0xB8C0] =	vst v0  }
0x42: {  	[tilespmem:$0xB8D0] =	vst v0  }
0x43: {  	[tilespmem:$0xB8E0] =	vst v0  }
0x44: {  	[tilespmem:$0xB8F0] =	vst v0  }
0x45: {  	[tilespmem:$0xB900] =	vst v0  }
0x46: {  	[tilespmem:$0xB910] =	vst v0  }
0x47: {  	[tilespmem:$0xB920] =	vst v0  }
0x48: {  	[tilespmem:$0xB930] =	vst v0  }
0x49: {  	[tilespmem:$0xB940] =	vst v0  }
0x4a: {  	[tilespmem:$0xB950] =	vst v0  }
0x4b: {  	[tilespmem:$0xB960] =	vst v0  }
0x4c: {  	[tilespmem:$0xB970] =	vst v0  }
0x4d: {  	[tilespmem:$0xB980] =	vst v0  }
0x4e: {  	[tilespmem:$0xB990] =	vst v0  }
0x4f: {  	[tilespmem:$0xB9A0] =	vst v0  }
0x50: {  	[tilespmem:$0xB9B0] =	vst v0  }
0x51: {  	[tilespmem:$0xB9C0] =	vst v0  }
0x52: {  	[tilespmem:$0xB9D0] =	vst v0  }
0x53: {  	[tilespmem:$0xB9E0] =	vst v0  }
0x54: {  	[tilespmem:$0xB9F0] =	vst v0  }
0x55: {  	[spmem:s6] =	stream.linear.scatter [tilespmem:s22], [sflag:$0x2], $0x4000, $0x38;
	[tilespmem:$0x1FC80] =	vst v63  }
0x56: {  	_ =	swait.ge [sflag:s23], $0x4000  }
0x57: {  	[sflag:s23] =	ssyncset.done $0x0  }
0x58: {  	[sflag:s23] =	ssyncadd.s32 $0xFFFFC000  }
0x59: {  	[spmem:s7] =	stream.linear.scatter [tilespmem:s22], [sflag:$0x2], $0x4000, $0x38;
	[tilespmem:$0x1FC80] =	vst v63  }
0x5a: {  	_ =	swait.ge [sflag:s23], $0x4000  }
0x5b: {  	[sflag:s23] =	ssyncset.done $0x0  }
0x5c: {  	[sflag:s23] =	ssyncadd.s32 $0xFFFFC000  }
0x5d: {  	[spmem:s8] =	stream.linear.scatter [tilespmem:s22], [sflag:$0x2], $0x4000, $0x38;
	[tilespmem:$0x1FC80] =	vst v63  }
0x5e: {  	_ =	swait.ge [sflag:s23], $0x4000  }
0x5f: {  	[sflag:s23] =	ssyncset.done $0x0  }
0x60: {  	[sflag:s23] =	ssyncadd.s32 $0xFFFFC000  }
0x61: {  	[spmem:s9] =	stream.linear.scatter [tilespmem:s22], [sflag:$0x2], $0x4000, $0x38;
	[tilespmem:$0x1FC80] =	vst v63  }
0x62: {  	_ =	swait.ge [sflag:s23], $0x4000  }
0x63: {  	[sflag:s23] =	ssyncset.done $0x0  }
0x64: {  	[sflag:s23] =	ssyncadd.s32 $0xFFFFC000  }
0x65: {  	[spmem:s10] =	stream.linear.scatter [tilespmem:s22], [sflag:$0x2], $0x4000, $0x38;
	[tilespmem:$0x1FC80] =	vst v63  }
0x66: {  	_ =	swait.ge [sflag:s23], $0x4000  }
0x67: {  	[sflag:s23] =	ssyncset.done $0x0  }
0x68: {  	[sflag:s23] =	ssyncadd.s32 $0xFFFFC000  }
0x69: {  	[spmem:s11] =	stream.linear.scatter [tilespmem:s24], [sflag:$0x2], $0x280, $0x38;
	[tilespmem:$0x1FC80] =	vst v63  }
0x6a: {  	_ =	swait.ge [sflag:s23], $0x280  }
0x6b: {  	[sflag:s23] =	ssyncset.done $0x0  }
0x6c: {  	[sflag:s23] =	ssyncadd.s32 $0xFFFFFD80  }
0x6d: {  	s25 =	simm.s32 $0x0;
	[bflag:$0x0] =	sbarrier.arrive $0xFFFF  }
0x6e: {  	[tilespmem:s25], [sflag:$0x2] =	stream.linear.gather [hbm4b:s12+s25], $0x2780, $0x38;
	[tilespmem:$0x1FC80] =	vst v63  }
0x6f: {  	_ =	swait.ge [sflag:s23], $0x2780  }
0x70: {  	[sflag:s23] =	ssyncset.done $0x0  }
0x71: {  	s1 =	simm.s32 $0x2780;
	[sflag:s23] =	ssyncadd.s32 $0xFFFFD880  }
0x72: {  	[tilespmem:s1], [sflag:$0x2] =	stream.linear.gather [hbm4b:s13+s25], $0x2780, $0x38;
	[tilespmem:$0x1FC80] =	vst v63  }
0x73: {  	_ =	swait.ge [sflag:s23], $0x2780  }
0x74: {  	[sflag:s23] =	ssyncset.done $0x0  }
0x75: {  	s26 =	simm.s32 $0x4F00;
	[sflag:s23] =	ssyncadd.s32 $0xFFFFD880  }
0x76: {  	[tilespmem:s26], [sflag:$0x2] =	stream.linear.gather [hbm4b:s16+s25], $0x2780, $0x38;
	[tilespmem:$0x1FC80] =	vst v63  }
0x77: {  	_ =	swait.ge [sflag:s23], $0x2780  }
0x78: {  	[sflag:s23] =	ssyncset.done $0x0  }
0x79: {  	s0 =	simm.s32 $0x0;
	[sflag:s23] =	ssyncadd.s32 $0xFFFFD880  }
0x7a: {  	v3 =	vld [tilespmem:s0+$0x2780];
	_ =	sdelay $0x1  }
0x7b: {  	v2 =	vld [tilespmem:s0+$0x0];
	_ =	sdelay $0x2  }
0x7c: {  	v3 =	vmul.u32 $0x2710, v3  }
0x7d: {  	s1 =	simm.s32 $0x10;
	s25 =	simm.s32 $0x80  }
.LBB2_4:
0x7e: {  	p0 =	sne.s32 s25, $0x9DC0;
	v4 =	vld [tilespmem:s1+$0x2780];
	v2 =	vadd.s32 v2, v3  }
0x7f: {  	[tilespmem:s0+$0x0] =	vst v2;
	s0 =	smov.u32 s1  }
.Ltmp1:
0x80: {  	v2 =	vld [tilespmem:s0+$0x0];
	(pc) =	sbr.rel @p0 .LBB2_4-.Ltmp1, $3  }
0x81: {  	_ =	sdelay $0x1  }
0x82: {  	v3 =	vmul.u32 $0x2710, v4  }
0x83: {  	s1 =	sshra.s32 s25, $0x2;
	s25 =	sadd.s32 $0x40, s25  }
0x84: {  	v4 =	vld [tilespmem:s1+$0x2780];
	v2 =	vadd.s32 v2, v3  }
0x85: {  	[tilespmem:s0+$0x0] =	vst v2  }
0x86: {  	v2 =	vld [tilespmem:s1+$0x0];
	_ =	sdelay $0x2  }
0x87: {  	v3 =	vmul.u32 $0x2710, v4;
	_ =	sdelay $0x1  }
0x88: {  	v2 =	vadd.s32 v2, v3  }
0x89: {  	s25 =	simm.s32 $0x0;
	[tilespmem:s1+$0x0] =	vst v2  }
0x8a: {  	[tilespmem:s22], [sflag:$0x1] =	stream.indirect.gather [hbm4b:s5+s28], $0x80, s25, s28, $0xb8;
	[tilespmem:$0x1FC80] =	vst v63  }
0x8b: {  	_ =	swait.ge [sflag:s29], $0x4000  }
0x8c: {  	[sflag:s29] =	ssyncset.done $0x0  }
0x8d: {  	s26 =	simm.s32 $0x4F00;
	[sflag:s29] =	ssyncadd.s32 $0xFFFFC000  }
0x8e: {  	[spmem:s2] =	stream.indirect.scatter.add.f32 [tilespmem:s22], [sflag:$0x2], $0x80, s26, s28, $0xb8;
	[tilespmem:$0x1FC80] =	vst v63  }
0x8f: {  	_ =	swait.ge [sflag:s23], $0x4000  }
0x90: {  	[sflag:s23] =	ssyncset.done $0x0  }
0x91: {  	[sflag:s23] =	ssyncadd.s32 $0xFFFFC000  }
0x92: {  	[spmem:s3] =	stream.indirect.scatter.add.f32 [tilespmem:s30], [sflag:$0x2], $0x1, s26, s28, $0xb8;
	[tilespmem:$0x1FC80] =	vst v63  }
0x93: {  	_ =	swait.ge [sflag:s23], $0x80  }
0x94: {  	s0 =	simm.s32 $0x200;
	s1 =	simm.s32 $0x400;
	[sflag:s23] =	ssyncset.done $0x0  }
.LBB2_6:
0x95: {  	s25 =	sshra.s32 s0, $0x2  }
0x96: {  	[sflag:s23] =	ssyncadd.s32 $0xFFFFFF80;
	s0 =	smov.u32 s1;
	s26 =	sadd.s32 $0x200, s1  }
0x97: {  	[tilespmem:s22], [sflag:$0x1] =	stream.indirect.gather [hbm4b:s5+s28], $0x80, s25, s28, $0xb8;
	[tilespmem:$0x1FC80] =	vst v63  }
0x98: {  	p0 =	sne.s32 s1, $0x9C00;
	_ =	swait.ge [sflag:s29], $0x4000  }
0x99: {  	[sflag:s29] =	ssyncset.done $0x0  }
0x9a: {  	s1 =	sadd.s32 $0x4F00, s25;
	[sflag:s29] =	ssyncadd.s32 $0xFFFFC000  }
0x9b: {  	[spmem:s2] =	stream.indirect.scatter.add.f32 [tilespmem:s22], [sflag:$0x2], $0x80, s1, s28, $0xb8;
	[tilespmem:$0x1FC80] =	vst v63  }
0x9c: {  	_ =	swait.ge [sflag:s23], $0x4000  }
.Ltmp2:
0x9d: {  	[sflag:s23] =	ssyncset.done $0x0;
	(pc) =	sbr.rel @p0 .LBB2_6-.Ltmp2, $4  }
0x9e: {  	[sflag:s23] =	ssyncadd.s32 $0xFFFFC000  }
0x9f: {  	[spmem:s3] =	stream.indirect.scatter.add.f32 [tilespmem:s30], [sflag:$0x2], $0x1, s1, s28, $0xb8;
	[tilespmem:$0x1FC80] =	vst v63  }
0xa0: {  	_ =	swait.ge [sflag:s23], $0x80  }
0xa1: {  	s1 =	smov.u32 s26;
	[sflag:s23] =	ssyncset.done $0x0  }
0xa2: {  	s0 =	sshra.s32 s0, $0x2;
	[sflag:s23] =	ssyncadd.s32 $0xFFFFFF80  }
0xa3: {  	[tilespmem:s22], [sflag:$0x1] =	stream.indirect.gather [hbm4b:s5+s28], $0x80, s0, s28, $0xb8;
	[tilespmem:$0x1FC80] =	vst v63  }
0xa4: {  	_ =	swait.ge [sflag:s29], $0x4000  }
0xa5: {  	[sflag:s29] =	ssyncset.done $0x0  }
0xa6: {  	s0 =	sadd.s32 $0x4F00, s0;
	[sflag:s29] =	ssyncadd.s32 $0xFFFFC000  }
0xa7: {  	[spmem:s2] =	stream.indirect.scatter.add.f32 [tilespmem:s22], [sflag:$0x2], $0x80, s0, s28, $0xb8;
	[tilespmem:$0x1FC80] =	vst v63  }
0xa8: {  	_ =	swait.ge [sflag:s23], $0x4000  }
0xa9: {  	[sflag:s23] =	ssyncset.done $0x0  }
0xaa: {  	[sflag:s23] =	ssyncadd.s32 $0xFFFFC000  }
0xab: {  	[spmem:s3] =	stream.indirect.scatter.add.f32 [tilespmem:s30], [sflag:$0x2], $0x1, s0, s28, $0xb8;
	[tilespmem:$0x1FC80] =	vst v63  }
0xac: {  	_ =	swait.ge [sflag:s23], $0x80  }
0xad: {  	[sflag:s23] =	ssyncset.done $0x0  }
0xae: {  	[sflag:s23] =	ssyncadd.s32 $0xFFFFFF80  }
0xaf: {  	[bflag:$0x0] =	sbarrier.arrive $0xFFFF  }
0xb0: {  	[tilespmem:s22], [sflag:$0x2] =	stream.linear.gather [spmem:s6], $0x4000, $0x38;
	[tilespmem:$0x1FC80] =	vst v63  }
0xb1: {  	_ =	swait.ge [sflag:s23], $0x4000  }
0xb2: {  	[sflag:s23] =	ssyncset.done $0x0  }
0xb3: {  	[sflag:s23] =	ssyncadd.s32 $0xFFFFC000  }
0xb4: {  	[hbm4b:s14+s4] =	stream.linear.scatter [tilespmem:s22], [sflag:$0x2], $0x4000, $0x38;
	[tilespmem:$0x1FC80] =	vst v63  }
0xb5: {  	_ =	swait.ge [sflag:s23], $0x4000  }
0xb6: {  	[sflag:s23] =	ssyncset.done $0x0  }
0xb7: {  	[sflag:s23] =	ssyncadd.s32 $0xFFFFC000  }
0xb8: {  	[tilespmem:s22], [sflag:$0x2] =	stream.linear.gather [spmem:s7], $0x4000, $0x38;
	[tilespmem:$0x1FC80] =	vst v63  }
0xb9: {  	_ =	swait.ge [sflag:s23], $0x4000  }
0xba: {  	[sflag:s23] =	ssyncset.done $0x0  }
0xbb: {  	[sflag:s23] =	ssyncadd.s32 $0xFFFFC000  }
0xbc: {  	[hbm4b:s15+s4] =	stream.linear.scatter [tilespmem:s22], [sflag:$0x2], $0x4000, $0x38;
	[tilespmem:$0x1FC80] =	vst v63  }
0xbd: {  	_ =	swait.ge [sflag:s23], $0x4000  }
0xbe: {  	[sflag:s23] =	ssyncset.done $0x0  }
0xbf: {  	[sflag:s23] =	ssyncadd.s32 $0xFFFFC000  }
0xc0: {  	[tilespmem:s22], [sflag:$0x2] =	stream.linear.gather [spmem:s8], $0x4000, $0x38;
	[tilespmem:$0x1FC80] =	vst v63  }
0xc1: {  	_ =	swait.ge [sflag:s23], $0x4000  }
0xc2: {  	[sflag:s23] =	ssyncset.done $0x0  }
0xc3: {  	[sflag:s23] =	ssyncadd.s32 $0xFFFFC000  }
0xc4: {  	[hbm4b:s17+s4] =	stream.linear.scatter [tilespmem:s22], [sflag:$0x2], $0x4000, $0x38;
	[tilespmem:$0x1FC80] =	vst v63  }
0xc5: {  	_ =	swait.ge [sflag:s23], $0x4000  }
0xc6: {  	[sflag:s23] =	ssyncset.done $0x0  }
0xc7: {  	[sflag:s23] =	ssyncadd.s32 $0xFFFFC000  }
0xc8: {  	[tilespmem:s22], [sflag:$0x2] =	stream.linear.gather [spmem:s9], $0x4000, $0x38;
	[tilespmem:$0x1FC80] =	vst v63  }
0xc9: {  	_ =	swait.ge [sflag:s23], $0x4000  }
0xca: {  	[sflag:s23] =	ssyncset.done $0x0  }
0xcb: {  	[sflag:s23] =	ssyncadd.s32 $0xFFFFC000  }
0xcc: {  	[hbm4b:s18+s4] =	stream.linear.scatter [tilespmem:s22], [sflag:$0x2], $0x4000, $0x38;
	[tilespmem:$0x1FC80] =	vst v63  }
0xcd: {  	_ =	swait.ge [sflag:s23], $0x4000  }
0xce: {  	[sflag:s23] =	ssyncset.done $0x0  }
0xcf: {  	[sflag:s23] =	ssyncadd.s32 $0xFFFFC000  }
0xd0: {  	[tilespmem:s22], [sflag:$0x2] =	stream.linear.gather [spmem:s10], $0x4000, $0x38;
	[tilespmem:$0x1FC80] =	vst v63  }
0xd1: {  	_ =	swait.ge [sflag:s23], $0x4000  }
0xd2: {  	[sflag:s23] =	ssyncset.done $0x0  }
0xd3: {  	[sflag:s23] =	ssyncadd.s32 $0xFFFFC000  }
0xd4: {  	[hbm4b:s19+s4] =	stream.linear.scatter [tilespmem:s22], [sflag:$0x2], $0x4000, $0x38;
	[tilespmem:$0x1FC80] =	vst v63  }
0xd5: {  	_ =	swait.ge [sflag:s23], $0x4000  }
0xd6: {  	[sflag:s23] =	ssyncset.done $0x0  }
0xd7: {  	[sflag:s23] =	ssyncadd.s32 $0xFFFFC000  }
0xd8: {  	[tilespmem:s24], [sflag:$0x2] =	stream.linear.gather [spmem:s11], $0x280, $0x38;
	[tilespmem:$0x1FC80] =	vst v63  }
0xd9: {  	s31 =	sadd.s32 $0x1, s31;
	_ =	swait.ge [sflag:s23], $0x280  }
0xda: {  	p0 =	sne.s32 s31, s21;
	[sflag:s23] =	ssyncset.done $0x0  }
.Ltmp3:
0xdb: {  	[sflag:s23] =	ssyncadd.s32 $0xFFFFFD80;
	(pc) =	sbr.rel @p0 .LBB2_1-.Ltmp3, $4  }
0xdc: {  	[hbm4b:s20+s4] =	stream.linear.scatter [tilespmem:s24], [sflag:$0x2], $0x280, $0x38;
	[tilespmem:$0x1FC80] =	vst v63  }
0xdd: {  	_ =	swait.ge [sflag:s23], $0x280  }
0xde: {  	[sflag:s23] =	ssyncset.done $0x0  }
0xdf: {  	[sflag:s23] =	ssyncadd.s32 $0xFFFFFD80  }
0xe0: {  	_ =	sfence.sel $0x180000  }
0xe1: {  	[bflag:$0x0] =	sbarrier.arrive $0xFFFF  }
0xe2: {  	_ =	strace $0x90000047  }
0xe3: {  	s0 =	stileid.u32;
	[bflag:$0x2] =	sbarrier.arrive $0xFFFF  }
0xe4: {  	p0 =	sne.s32 s0, $0x0;
	s0 =	rddreg [dreg:$0x4]  }
0xe5: {  	s0 =	sadd.s32 @!p0 $0x100000, s0  }
0xe6: {  	[sflag:s0] =	ssyncadd.tile.s32 @!p0 $0x1;
	_ =	shalt  }
.Lfunc_end2:
_tile_overlayer_lowered:
.L_overlay_start_2:
0xe7: {  	(tag) =	ssettag $0x2  }
0xe8: {  	s0 =	rddreg [dreg:$0x0];
	s2 =	stileid.u32  }
0xe9: {  	s1 =	rddreg [dreg:$0x1];
	p0 =	sne.s32 s2, $0x0  }
0xea: {  	s3 =	rddreg [dreg:$0x2];
	[bflag:$0x3] =	sbarrier.arrive $0xFFFF;
	s2 =	simm.s32 @!p0 $0x1C02  }
0xeb: {  	[timem:s3], [sflag:s2] =	dma.local @!p0 [hbm:s0], s1  }
0xec: {  	s0 =	simm.s32 @!p0 $0x2  }
0xed: {  	_ =	swait.ge @!p0 [sflag:s0], s1  }
0xee: {  	s1 =	ssub.s32 @!p0 $0x0, s1;
	[sflag:s0] =	ssyncset.done @!p0 $0x0  }
0xef: {  	[sflag:s0] =	ssyncadd.s32 @!p0 s1  }
0xf0: {  	[bflag:$0x3] =	sbarrier.arrive $0xFFFF  }
0xf1: {  	_ =	shalt  }

</sc_bundles>
